<compile_context>
chip_gen: v7x
topology: tpu7x:2x2x1
jax: 0.10.2.dev20260603
libtpu: 0.0.44.dev20260713+nightly
codegen_flags: <defaults>
</compile_context>

<pallas_src>
import jax
import jax.numpy as jnp
from jax.experimental import pallas as pl
from jax.experimental.pallas import tpu as pltpu

T = 2048
D = 2048
E = 8
CAP = 2048
BT = 64
NBLK = T // BT
FLAT = E * CAP


def _body(x_ref, w_ref, c_ref, comb_ref, disp_ref, la_ref, splits_ref,
          base_ref, me_ref):
    i = pl.program_id(0)

    @pl.when(i == 0)
    def _init():
        base_ref[...] = jnp.zeros((1, E), jnp.int32)
        me_ref[...] = jnp.zeros((1, E), jnp.float32)

    x = x_ref[...]
    w = w_ref[...]
    c = c_ref[...]

    xr = jax.lax.dot_general(x, w, (((1,), (1,)), ((), ())),
                             preferred_element_type=jnp.float32)
    n1 = jnp.sqrt(jnp.sum(c * c, axis=1, keepdims=True))
    c2 = c * (1.5 / n1)
    n2 = jnp.sqrt(jnp.sum(c2 * c2, axis=1, keepdims=True))
    cn = c2 / jnp.maximum(n2, 1e-4)
    logits = jax.lax.dot_general(xr, cn, (((1,), (1,)), ((), ())),
                                 preferred_element_type=jnp.float32)

    m = jnp.max(logits, axis=1, keepdims=True)
    ex = jnp.exp(logits - m)
    s = jnp.sum(ex, axis=1, keepdims=True)
    gates = ex / s
    gate1 = 1.5 / s

    iota_e = jax.lax.broadcasted_iota(jnp.int32, (BT, E), 1)
    idx = jnp.min(jnp.where(logits == m, iota_e, E), axis=1, keepdims=True)
    mask_f = (iota_e == idx).astype(jnp.float32)

    me_ref[...] = me_ref[...] + jnp.sum(gates, axis=0, keepdims=True)
    cnt = jnp.sum(mask_f, axis=0, keepdims=True)

    r_io = jax.lax.broadcasted_iota(jnp.int32, (BT, BT), 0)
    c_io = jax.lax.broadcasted_iota(jnp.int32, (BT, BT), 1)
    tri = (r_io > c_io).astype(jnp.float32)
    prior = jax.lax.dot_general(tri, mask_f, (((1,), (0,)), ((), ())),
                                preferred_element_type=jnp.float32)
    base_f = base_ref[...].astype(jnp.float32)
    locf = jnp.sum(mask_f * (prior + base_f), axis=1, keepdims=True)
    loc = locf.astype(jnp.int32)
    base_ref[...] = base_ref[...] + cnt.astype(jnp.int32)

    flat = idx * CAP + loc
    jcol = jax.lax.broadcasted_iota(jnp.int32, (BT, FLAT), 1)
    hit = jcol == flat
    comb_ref[...] = jnp.where(hit, gate1, 0.0)
    disp_ref[...] = jnp.logical_and(hit, gate1 != 0.0)

    @pl.when(i == NBLK - 1)
    def _fin():
        counts = base_ref[...].astype(jnp.float32)
        me = me_ref[...] * (1.0 / T)
        ce = counts * (1.0 / T)
        prod = jnp.sum(me * ce, axis=1, keepdims=True) * float(E)
        la_ref[...] = prod
        splits_ref[...] = base_ref[...]


def kernel(input, W, expert_centroids):
    comb2d, disp2d, la, splits = pl.pallas_call(
        _body,
        grid=(NBLK,),
        in_specs=[
            pl.BlockSpec((BT, D), lambda i: (i, 0)),
            pl.BlockSpec((4, D), lambda i: (0, 0)),
            pl.BlockSpec((E, 4), lambda i: (0, 0)),
        ],
        out_specs=[
            pl.BlockSpec((BT, FLAT), lambda i: (i, 0)),
            pl.BlockSpec((BT, FLAT), lambda i: (i, 0)),
            pl.BlockSpec((1, 1), lambda i: (0, 0)),
            pl.BlockSpec((1, E), lambda i: (0, 0)),
        ],
        out_shape=[
            jax.ShapeDtypeStruct((T, FLAT), jnp.float32),
            jax.ShapeDtypeStruct((T, FLAT), jnp.bool_),
            jax.ShapeDtypeStruct((1, 1), jnp.float32),
            jax.ShapeDtypeStruct((1, E), jnp.int32),
        ],
        scratch_shapes=[
            pltpu.VMEM((1, E), jnp.int32),
            pltpu.VMEM((1, E), jnp.float32),
        ],
        compiler_params=pltpu.CompilerParams(
            dimension_semantics=("arbitrary",),
        ),
    )(input, W, expert_centroids)

    combine = comb2d.reshape(T, E, CAP)
    dispatch = disp2d.reshape(T, E, CAP)
    return (la.reshape(()), combine, dispatch, splits.reshape(E))

# --- scband reference (transcript-rebuilt; emitter-appended) ---
"""Pipeline reference for scband-top1-gate-38319698214956 (READ-ONLY COPY).

The authoritative reference and input builder live on the scoring server;
editing this copy changes nothing except your own understanding.
"""

import math
import jax, jax.numpy as jnp
import numpy as np

T = 2048
D_MODEL = 2048
E = 8


def setup_inputs(seed: int = 0) -> dict:
    key = jax.random.key(seed)
    k1, k2, k3 = jax.random.split(key, 3)
    x = jax.random.normal(k1, (T, D_MODEL), dtype=jnp.float32)
    W = jax.random.normal(k2, (4, D_MODEL), dtype=jnp.float32) * 0.02  # dim_reduction weight [4, model_dim]
    expert_centroids = jax.random.normal(k3, (E, 4), dtype=jnp.float32) * 0.32
    return {"input": x, "W": W, "expert_centroids": expert_centroids}


def reference(input, W, expert_centroids):
    eps = 1e-4
    # dim reduction (nn.Linear, no bias)
    x = input @ W.T
    # in-place centroid renorm under no_grad: centroids *= 1.5 / ||centroids||
    scale = jax.lax.stop_gradient(1.5 / jnp.linalg.norm(expert_centroids, axis=1, keepdims=True))
    c = expert_centroids * scale
    # _cosine: F.normalize(mat2) then matmul
    cn = c / jnp.maximum(jnp.linalg.norm(c, axis=1, keepdims=True), eps)
    logits = x @ cn.T
    # _make_finite
    ok = jnp.isfinite(logits)
    minv = jnp.min(jnp.where(ok, logits, jnp.inf))
    logits = jnp.where(ok, logits, minv)

    # top1gating (eval mode: input.requires_grad is False, fraction=1 -> capacity = T)
    gates = jax.nn.softmax(logits, axis=1)
    num_tokens, num_experts = gates.shape
    capacity = int(math.ceil(1.0 * num_tokens))
    indices1_s = jnp.argmax(gates, axis=1)
    mask1 = jax.nn.one_hot(indices1_s, num_experts, dtype=jnp.int32)
    output_splits = jnp.bincount(indices1_s, length=num_experts)
    gates1_s = 1.5 * jnp.sum(gates * mask1.astype(gates.dtype), axis=1)
    locations1 = jnp.cumsum(mask1, axis=0) - 1
    me = jnp.mean(gates, axis=0)
    ce = jnp.mean(mask1.astype(gates.dtype), axis=0)
    l_aux = jnp.mean(me * ce) * num_experts * num_experts
    mask1 = mask1 * (locations1 < capacity).astype(mask1.dtype)
    locations1_s = jnp.sum(locations1 * mask1, axis=1)
    gates1 = gates1_s[:, None] * mask1.astype(gates1_s.dtype)
    locations1_sc = jax.nn.one_hot(locations1_s, capacity, dtype=gates1.dtype)
    combine1_sec = gates1[:, :, None] * locations1_sc[:, None, :]
    dispatch_mask = combine1_sec.astype(bool)
    return (l_aux, combine1_sec, dispatch_mask, output_splits)

if __name__ == "__main__":
    import jax
    _d = setup_inputs()
    print(jax.jit(kernel)(*tuple(_d.values())))

</pallas_src>

<mosaic_0001>
module attributes {stable_mosaic.version = 14 : i64} {
  func.func @_body(%arg0: i32, %arg1: memref<64x2048xf32, #tpu.memory_space<vmem>>, %arg2: memref<4x2048xf32, #tpu.memory_space<vmem>>, %arg3: memref<8x4xf32, #tpu.memory_space<vmem>>, %arg4: memref<64x16384xf32, #tpu.memory_space<vmem>>, %arg5: memref<64x16384xi32, #tpu.memory_space<vmem>>, %arg6: memref<1x1xf32, #tpu.memory_space<vmem>>, %arg7: memref<1x8xi32, #tpu.memory_space<vmem>>, %arg8: memref<1x8xi32, #tpu.memory_space<vmem>>, %arg9: memref<1x8xf32, #tpu.memory_space<vmem>>) attributes {dimension_semantics = [#tpu.dimension_semantics<arbitrary>], iteration_bounds = array<i64: 32>, scalar_prefetch = 0 : i64, scratch_operands = 2 : i64, tpu.core_type = #tpu.core_type<tc>, window_params = [{transform_indices = @transform_0, window_bounds = array<i64: 64, 2048>}, {pipeline_mode = #tpu.pipeline_mode<synchronous>, transform_indices = @transform_1, window_bounds = array<i64: 4, 2048>}, {pipeline_mode = #tpu.pipeline_mode<synchronous>, transform_indices = @transform_2, window_bounds = array<i64: 8, 4>}, {transform_indices = @transform_3, window_bounds = array<i64: 64, 16384>}, {transform_indices = @transform_4, window_bounds = array<i64: 64, 16384>}, {pipeline_mode = #tpu.pipeline_mode<synchronous>, transform_indices = @transform_5, window_bounds = array<i64: 1, 1>}, {pipeline_mode = #tpu.pipeline_mode<synchronous>, transform_indices = @transform_6, window_bounds = array<i64: 1, 8>}]} {
    %eq3A = arith.constant 0 : i32
    %eq3A_0 = arith.cmpi eq, %arg0, %eq3A : i32
    %convert_element_type3A = arith.extui %eq3A_0 : i1 to i32
    %cond3A = arith.constant 0 : i32
    %cond3A_1 = arith.cmpi ne, %convert_element_type3A, %cond3A : i32
    scf.if %cond3A_1 {
      %broadcast_in_dim3A_112 = arith.constant 0 : i32
      %broadcast_in_dim3A_113 = vector.broadcast %broadcast_in_dim3A_112 : i32 to vector<1x8xi32>
      %swap3A_114 = arith.constant 0 : index
      %swap3A_115 = arith.constant 0 : index
      %swap3A_116 = vector.load %arg8[%swap3A_114, %swap3A_115] : memref<1x8xi32, #tpu.memory_space<vmem>>, vector<1x8xi32>
      tpu.vector_store %arg8[%swap3A_114, %swap3A_115], %broadcast_in_dim3A_113 {strides = array<i32>} : memref<1x8xi32, #tpu.memory_space<vmem>>, vector<1x8xi32>,
      %broadcast_in_dim3A_117 = arith.constant 0.000000e+00 : f32
      %broadcast_in_dim3A_118 = vector.broadcast %broadcast_in_dim3A_117 : f32 to vector<1x8xf32>
      %swap3A_119 = arith.constant 0 : index
      %swap3A_120 = arith.constant 0 : index
      %swap3A_121 = vector.load %arg9[%swap3A_119, %swap3A_120] : memref<1x8xf32, #tpu.memory_space<vmem>>, vector<1x8xf32>
      tpu.vector_store %arg9[%swap3A_119, %swap3A_120], %broadcast_in_dim3A_118 {strides = array<i32>} : memref<1x8xf32, #tpu.memory_space<vmem>>, vector<1x8xf32>,
    } else {
    }
    %get3A = arith.constant 0 : index
    %get3A_2 = arith.constant 0 : index
    %get3A_3 = vector.load %arg1[%get3A, %get3A_2] : memref<64x2048xf32, #tpu.memory_space<vmem>>, vector<64x2048xf32>
    %get3A_4 = arith.constant 0 : index
    %get3A_5 = arith.constant 0 : index
    %get3A_6 = vector.load %arg2[%get3A_4, %get3A_5] : memref<4x2048xf32, #tpu.memory_space<vmem>>, vector<4x2048xf32>
    %get3A_7 = arith.constant 0 : index
    %get3A_8 = arith.constant 0 : index
    %get3A_9 = vector.load %arg3[%get3A_7, %get3A_8] : memref<8x4xf32, #tpu.memory_space<vmem>>, vector<8x4xf32>
    %dot_general3A = arith.constant dense<0.000000e+00> : vector<64x4xf32>
    %dot_general3A_10 = tpu.matmul %get3A_3, %get3A_6, %dot_general3A {dimension_numbers = #tpu.dot_dimension_numbers<[1], [1], [0], [0], [0, 0, 1, 0], [], []>, transpose_lhs_hint = false} : vector<64x2048xf32>, vector<4x2048xf32>, vector<64x4xf32> -> vector<64x4xf32>
    %mul3A = arith.mulf %get3A_9, %get3A_9 : vector<8x4xf32>
    %reduce_sum3A = arith.constant dense<0.000000e+00> : vector<8xf32>
    %reduce_sum3A_11 = vector.multi_reduction <add>, %mul3A, %reduce_sum3A [1] : vector<8x4xf32> to vector<8xf32>
    %broadcast_in_dim3A = vector.shape_cast %reduce_sum3A_11 : vector<8xf32> to vector<8x1xf32>
    %sqrt3A = math.sqrt %broadcast_in_dim3A : vector<8x1xf32>
    %div3A = arith.constant 1.500000e+00 : f32
    %div3A_12 = vector.broadcast %div3A : f32 to vector<8x1xf32>
    %div3A_13 = arith.divf %div3A_12, %sqrt3A : vector<8x1xf32>
    %mul3A_14 = vector.broadcast %div3A_13 : vector<8x1xf32> to vector<8x4xf32>
    %mul3A_15 = arith.mulf %get3A_9, %mul3A_14 : vector<8x4xf32>
    %mul3A_16 = arith.mulf %mul3A_15, %mul3A_15 : vector<8x4xf32>
    %reduce_sum3A_17 = arith.constant dense<0.000000e+00> : vector<8xf32>
    %reduce_sum3A_18 = vector.multi_reduction <add>, %mul3A_16, %reduce_sum3A_17 [1] : vector<8x4xf32> to vector<8xf32>
    %broadcast_in_dim3A_19 = vector.shape_cast %reduce_sum3A_18 : vector<8xf32> to vector<8x1xf32>
    %sqrt3A_20 = math.sqrt %broadcast_in_dim3A_19 : vector<8x1xf32>
    %max3A = arith.constant 9.99999974E-5 : f32
    %max3A_21 = vector.broadcast %max3A : f32 to vector<8x1xf32>
    %max3A_22 = arith.maximumf %sqrt3A_20, %max3A_21 : vector<8x1xf32>
    %div3A_23 = vector.broadcast %max3A_22 : vector<8x1xf32> to vector<8x4xf32>
    %div3A_24 = arith.divf %mul3A_15, %div3A_23 : vector<8x4xf32>
    %dot_general3A_25 = arith.constant dense<0.000000e+00> : vector<64x8xf32>
    %dot_general3A_26 = tpu.matmul %dot_general3A_10, %div3A_24, %dot_general3A_25 {dimension_numbers = #tpu.dot_dimension_numbers<[1], [1], [0], [0], [0, 0, 1, 0], [], []>, transpose_lhs_hint = false} : vector<64x4xf32>, vector<8x4xf32>, vector<64x8xf32> -> vector<64x8xf32>
    %reduce_max3A = arith.constant dense<0xFF800000> : vector<64xf32>
    %reduce_max3A_27 = vector.multi_reduction <maximumf>, %dot_general3A_26, %reduce_max3A [1] : vector<64x8xf32> to vector<64xf32>
    %broadcast_in_dim3A_28 = vector.shape_cast %reduce_max3A_27 : vector<64xf32> to vector<64x1xf32>
    %sub3A = vector.broadcast %broadcast_in_dim3A_28 : vector<64x1xf32> to vector<64x8xf32>
    %sub3A_29 = arith.subf %dot_general3A_26, %sub3A : vector<64x8xf32>
    %exp3A = math.exp %sub3A_29 : vector<64x8xf32>
    %reduce_sum3A_30 = arith.constant dense<0.000000e+00> : vector<64xf32>
    %reduce_sum3A_31 = vector.multi_reduction <add>, %exp3A, %reduce_sum3A_30 [1] : vector<64x8xf32> to vector<64xf32>
    %broadcast_in_dim3A_32 = vector.shape_cast %reduce_sum3A_31 : vector<64xf32> to vector<64x1xf32>
    %div3A_33 = vector.broadcast %broadcast_in_dim3A_32 : vector<64x1xf32> to vector<64x8xf32>
    %div3A_34 = arith.divf %exp3A, %div3A_33 : vector<64x8xf32>
    %div3A_35 = arith.constant 1.500000e+00 : f32
    %div3A_36 = vector.broadcast %div3A_35 : f32 to vector<64x1xf32>
    %div3A_37 = arith.divf %div3A_36, %broadcast_in_dim3A_32 : vector<64x1xf32>
    %iota3A = tpu.iota {dimensions = array<i32: 1>} : vector<64x8xi32>
    %eq3A_38 = vector.broadcast %broadcast_in_dim3A_28 : vector<64x1xf32> to vector<64x8xf32>
    %eq3A_39 = arith.cmpf oeq, %dot_general3A_26, %eq3A_38 : vector<64x8xf32>
    %jit3A = arith.constant 8 : i32
    %broadcast_in_dim3A_40 = vector.broadcast %jit3A : i32 to vector<64x8xi32>
    %select_n3A = arith.select %eq3A_39, %iota3A, %broadcast_in_dim3A_40 : vector<64x8xi1>, vector<64x8xi32>
    %reduce_min3A = arith.constant dense<2147483647> : vector<64xi32>
    %reduce_min3A_41 = vector.multi_reduction <minsi>, %select_n3A, %reduce_min3A [1] : vector<64x8xi32> to vector<64xi32>
    %broadcast_in_dim3A_42 = vector.shape_cast %reduce_min3A_41 : vector<64xi32> to vector<64x1xi32>
    %eq3A_43 = vector.broadcast %broadcast_in_dim3A_42 : vector<64x1xi32> to vector<64x8xi32>
    %eq3A_44 = arith.cmpi eq, %iota3A, %eq3A_43 : vector<64x8xi32>
    %convert_element_type3A_45 = arith.extui %eq3A_44 : vector<64x8xi1> to vector<64x8xi32>
    %convert_element_type3A_46 = arith.sitofp %convert_element_type3A_45 : vector<64x8xi32> to vector<64x8xf32>
    %get3A_47 = arith.constant 0 : index
    %get3A_48 = arith.constant 0 : index
    %get3A_49 = vector.load %arg9[%get3A_47, %get3A_48] : memref<1x8xf32, #tpu.memory_space<vmem>>, vector<1x8xf32>
    %reduce_sum3A_50 = arith.constant dense<0.000000e+00> : vector<8xf32>
    %reduce_sum3A_51 = vector.multi_reduction <add>, %div3A_34, %reduce_sum3A_50 [0] : vector<64x8xf32> to vector<8xf32>
    %broadcast_in_dim3A_52 = vector.shape_cast %reduce_sum3A_51 : vector<8xf32> to vector<1x8xf32>
    %add3A = arith.addf %get3A_49, %broadcast_in_dim3A_52 : vector<1x8xf32>
    %swap3A = arith.constant 0 : index
    %swap3A_53 = arith.constant 0 : index
    %swap3A_54 = vector.load %arg9[%swap3A, %swap3A_53] : memref<1x8xf32, #tpu.memory_space<vmem>>, vector<1x8xf32>
    tpu.vector_store %arg9[%swap3A, %swap3A_53], %add3A {strides = array<i32>} : memref<1x8xf32, #tpu.memory_space<vmem>>, vector<1x8xf32>,
    %reduce_sum3A_55 = arith.constant dense<0.000000e+00> : vector<8xf32>
    %reduce_sum3A_56 = vector.multi_reduction <add>, %convert_element_type3A_46, %reduce_sum3A_55 [0] : vector<64x8xf32> to vector<8xf32>
    %broadcast_in_dim3A_57 = vector.shape_cast %reduce_sum3A_56 : vector<8xf32> to vector<1x8xf32>
    %iota3A_58 = tpu.iota {dimensions = array<i32: 0>} : vector<64x64xi32>
    %iota3A_59 = tpu.iota {dimensions = array<i32: 1>} : vector<64x64xi32>
    %gt3A = arith.cmpi sgt, %iota3A_58, %iota3A_59 : vector<64x64xi32>
    %convert_element_type3A_60 = arith.extui %gt3A : vector<64x64xi1> to vector<64x64xi32>
    %convert_element_type3A_61 = arith.sitofp %convert_element_type3A_60 : vector<64x64xi32> to vector<64x64xf32>
    %dot_general3A_62 = arith.constant dense<0.000000e+00> : vector<64x8xf32>
    %dot_general3A_63 = tpu.matmul %convert_element_type3A_61, %convert_element_type3A_46, %dot_general3A_62 {dimension_numbers = #tpu.dot_dimension_numbers<[1], [0], [0], [1], [0, 0, 1, 1], [], []>, transpose_lhs_hint = false} : vector<64x64xf32>, vector<64x8xf32>, vector<64x8xf32> -> vector<64x8xf32>
    %get3A_64 = arith.constant 0 : index
    %get3A_65 = arith.constant 0 : index
    %get3A_66 = vector.load %arg8[%get3A_64, %get3A_65] : memref<1x8xi32, #tpu.memory_space<vmem>>, vector<1x8xi32>
    %convert_element_type3A_67 = arith.sitofp %get3A_66 : vector<1x8xi32> to vector<1x8xf32>
    %add3A_68 = vector.broadcast %convert_element_type3A_67 : vector<1x8xf32> to vector<64x8xf32>
    %add3A_69 = arith.addf %dot_general3A_63, %add3A_68 : vector<64x8xf32>
    %mul3A_70 = arith.mulf %convert_element_type3A_46, %add3A_69 : vector<64x8xf32>
    %reduce_sum3A_71 = arith.constant dense<0.000000e+00> : vector<64xf32>
    %reduce_sum3A_72 = vector.multi_reduction <add>, %mul3A_70, %reduce_sum3A_71 [1] : vector<64x8xf32> to vector<64xf32>
    %broadcast_in_dim3A_73 = vector.shape_cast %reduce_sum3A_72 : vector<64xf32> to vector<64x1xf32>
    %convert_element_type3A_74 = arith.fptosi %broadcast_in_dim3A_73 : vector<64x1xf32> to vector<64x1xi32>
    %get3A_75 = arith.constant 0 : index
    %get3A_76 = arith.constant 0 : index
    %get3A_77 = vector.load %arg8[%get3A_75, %get3A_76] : memref<1x8xi32, #tpu.memory_space<vmem>>, vector<1x8xi32>
    %convert_element_type3A_78 = arith.fptosi %broadcast_in_dim3A_57 : vector<1x8xf32> to vector<1x8xi32>
    %add3A_79 = arith.addi %get3A_77, %convert_element_type3A_78 : vector<1x8xi32>
    %swap3A_80 = arith.constant 0 : index
    %swap3A_81 = arith.constant 0 : index
    %swap3A_82 = vector.load %arg8[%swap3A_80, %swap3A_81] : memref<1x8xi32, #tpu.memory_space<vmem>>, vector<1x8xi32>
    tpu.vector_store %arg8[%swap3A_80, %swap3A_81], %add3A_79 {strides = array<i32>} : memref<1x8xi32, #tpu.memory_space<vmem>>, vector<1x8xi32>,
    %mul3A_83 = arith.constant 2048 : i32
    %mul3A_84 = vector.broadcast %mul3A_83 : i32 to vector<64x1xi32>
    %mul3A_85 = arith.muli %broadcast_in_dim3A_42, %mul3A_84 : vector<64x1xi32>
    %add3A_86 = arith.addi %mul3A_85, %convert_element_type3A_74 : vector<64x1xi32>
    %iota3A_87 = tpu.iota {dimensions = array<i32: 1>} : vector<64x16384xi32>
    %eq3A_88 = vector.broadcast %add3A_86 : vector<64x1xi32> to vector<64x16384xi32>
    %eq3A_89 = arith.cmpi eq, %iota3A_87, %eq3A_88 : vector<64x16384xi32>
    %jit3A_90 = arith.constant 0.000000e+00 : f32
    %broadcast_in_dim3A_91 = vector.shape_cast %div3A_37 : vector<64x1xf32> to vector<64x1xf32>
    %broadcast_in_dim3A_92 = vector.broadcast %broadcast_in_dim3A_91 : vector<64x1xf32> to vector<64x16384xf32>
    %broadcast_in_dim3A_93 = vector.broadcast %jit3A_90 : f32 to vector<64x16384xf32>
    %select_n3A_94 = arith.select %eq3A_89, %broadcast_in_dim3A_92, %broadcast_in_dim3A_93 : vector<64x16384xi1>, vector<64x16384xf32>
    %swap3A_95 = arith.constant 0 : index
    %swap3A_96 = arith.constant 0 : index
    %swap3A_97 = vector.load %arg4[%swap3A_95, %swap3A_96] : memref<64x16384xf32, #tpu.memory_space<vmem>>, vector<64x16384xf32>
    tpu.vector_store %arg4[%swap3A_95, %swap3A_96], %select_n3A_94 {strides = array<i32>} : memref<64x16384xf32, #tpu.memory_space<vmem>>, vector<64x16384xf32>,
    %ne3A = arith.constant 0.000000e+00 : f32
    %ne3A_98 = vector.broadcast %ne3A : f32 to vector<64x1xf32>
    %ne3A_99 = arith.cmpf one, %div3A_37, %ne3A_98 : vector<64x1xf32>
    %and3A = vector.broadcast %ne3A_99 : vector<64x1xi1> to vector<64x16384xi1>
    %and3A_100 = arith.andi %eq3A_89, %and3A : vector<64x16384xi1>
    %swap3A_101 = arith.constant 0 : index
    %swap3A_102 = arith.constant 0 : index
    %swap3A_103 = vector.load %arg5[%swap3A_101, %swap3A_102] : memref<64x16384xi32, #tpu.memory_space<vmem>>, vector<64x16384xi32>
    %swap3A_104 = arith.extui %and3A_100 : vector<64x16384xi1> to vector<64x16384xi32>
    %swap3A_105 = arith.constant dense<0> : vector<64x16384xi32>
    %swap3A_106 = arith.cmpi ne, %swap3A_103, %swap3A_105 : vector<64x16384xi32>
    tpu.vector_store %arg5[%swap3A_101, %swap3A_102], %swap3A_104 {strides = array<i32>} : memref<64x16384xi32, #tpu.memory_space<vmem>>, vector<64x16384xi32>,
    %eq3A_107 = arith.constant 31 : i32
    %eq3A_108 = arith.cmpi eq, %arg0, %eq3A_107 : i32
    %convert_element_type3A_109 = arith.extui %eq3A_108 : i1 to i32
    %cond3A_110 = arith.constant 0 : i32
    %cond3A_111 = arith.cmpi ne, %convert_element_type3A_109, %cond3A_110 : i32
    scf.if %cond3A_111 {
      %get3A_112 = arith.constant 0 : index
      %get3A_113 = arith.constant 0 : index
      %get3A_114 = vector.load %arg8[%get3A_112, %get3A_113] : memref<1x8xi32, #tpu.memory_space<vmem>>, vector<1x8xi32>
      %convert_element_type3A_115 = arith.sitofp %get3A_114 : vector<1x8xi32> to vector<1x8xf32>
      %get3A_116 = arith.constant 0 : index
      %get3A_117 = arith.constant 0 : index
      %get3A_118 = vector.load %arg9[%get3A_116, %get3A_117] : memref<1x8xf32, #tpu.memory_space<vmem>>, vector<1x8xf32>
      %mul3A_119 = arith.constant 4.8828125E-4 : f32
      %mul3A_120 = vector.broadcast %mul3A_119 : f32 to vector<1x8xf32>
      %mul3A_121 = arith.mulf %get3A_118, %mul3A_120 : vector<1x8xf32>
      %mul3A_122 = arith.constant 4.8828125E-4 : f32
      %mul3A_123 = vector.broadcast %mul3A_122 : f32 to vector<1x8xf32>
      %mul3A_124 = arith.mulf %convert_element_type3A_115, %mul3A_123 : vector<1x8xf32>
      %mul3A_125 = arith.mulf %mul3A_121, %mul3A_124 : vector<1x8xf32>
      %reduce_sum3A_126 = arith.constant dense<0.000000e+00> : vector<1xf32>
      %reduce_sum3A_127 = vector.multi_reduction <add>, %mul3A_125, %reduce_sum3A_126 [1] : vector<1x8xf32> to vector<1xf32>
      %broadcast_in_dim3A_128 = vector.shape_cast %reduce_sum3A_127 : vector<1xf32> to vector<1x1xf32>
      %mul3A_129 = arith.constant 8.000000e+00 : f32
      %mul3A_130 = vector.broadcast %mul3A_129 : f32 to vector<1x1xf32>
      %mul3A_131 = arith.mulf %broadcast_in_dim3A_128, %mul3A_130 : vector<1x1xf32>
      %swap3A_132 = arith.constant 0 : index
      %swap3A_133 = arith.constant 0 : index
      %swap3A_134 = vector.load %arg6[%swap3A_132, %swap3A_133] : memref<1x1xf32, #tpu.memory_space<vmem>>, vector<1x1xf32>
      tpu.vector_store %arg6[%swap3A_132, %swap3A_133], %mul3A_131 {strides = array<i32>} : memref<1x1xf32, #tpu.memory_space<vmem>>, vector<1x1xf32>,
      %get3A_135 = arith.constant 0 : index
      %get3A_136 = arith.constant 0 : index
      %get3A_137 = vector.load %arg8[%get3A_135, %get3A_136] : memref<1x8xi32, #tpu.memory_space<vmem>>, vector<1x8xi32>
      %swap3A_138 = arith.constant 0 : index
      %swap3A_139 = arith.constant 0 : index
      %swap3A_140 = vector.load %arg7[%swap3A_138, %swap3A_139] : memref<1x8xi32, #tpu.memory_space<vmem>>, vector<1x8xi32>
      tpu.vector_store %arg7[%swap3A_138, %swap3A_139], %get3A_137 {strides = array<i32>} : memref<1x8xi32, #tpu.memory_space<vmem>>, vector<1x8xi32>,
    } else {
    }
    return
  }
  func.func @transform_0(%arg0: i32) -> (i32, i32) {
    %c0_i32 = arith.constant 0 : i32
    %c0_i32_0 = arith.constant 0 : i32
    return %arg0, %c0_i32 : i32, i32
  }
  func.func @transform_1(%arg0: i32) -> (i32, i32) {
    %c0_i32 = arith.constant 0 : i32
    %c0_i32_0 = arith.constant 0 : i32
    %c0_i32_1 = arith.constant 0 : i32
    return %c0_i32, %c0_i32_0 : i32, i32
  }
  func.func @transform_2(%arg0: i32) -> (i32, i32) {
    %c0_i32 = arith.constant 0 : i32
    %c0_i32_0 = arith.constant 0 : i32
    %c0_i32_1 = arith.constant 0 : i32
    return %c0_i32, %c0_i32_0 : i32, i32
  }
  func.func @transform_3(%arg0: i32) -> (i32, i32) {
    %c0_i32 = arith.constant 0 : i32
    %c0_i32_0 = arith.constant 0 : i32
    return %arg0, %c0_i32 : i32, i32
  }
  func.func @transform_4(%arg0: i32) -> (i32, i32) {
    %c0_i32 = arith.constant 0 : i32
    %c0_i32_0 = arith.constant 0 : i32
    return %arg0, %c0_i32 : i32, i32
  }
  func.func @transform_5(%arg0: i32) -> (i32, i32) {
    %c0_i32 = arith.constant 0 : i32
    %c0_i32_0 = arith.constant 0 : i32
    %c0_i32_1 = arith.constant 0 : i32
    return %c0_i32, %c0_i32_0 : i32, i32
  }
  func.func @transform_6(%arg0: i32) -> (i32, i32) {
    %c0_i32 = arith.constant 0 : i32
    %c0_i32_0 = arith.constant 0 : i32
    %c0_i32_1 = arith.constant 0 : i32
    return %c0_i32, %c0_i32_0 : i32, i32
  }
}

</mosaic_0001>

<sc_bundles>
// kernel: sparse-core-data-format-call.1.cloned.1.call-start
scs
called_computation.1_lowered:
.L_overlay_start_0:
0x0: {  	s2 =	sld [smem:$0x3FD9]  }
0x1: {  	s3 =	sld [smem:$0x3FFE];
	_ =	sdelay $0x1  }
0x2: {  	s1 =	srdreg.scid  }
0x3: {  	s0 =	sand.u32 $0x1, s1  }
0x4: {  	s16 =	sshll.u32 s0, $0xA;
	s2 =	sadd.s32 s3, s2  }
0x5: {  	s2 =	sadd.s32 s2, s16  }
0x6: {  	[smem:$0x3FC5] =	sst s2  }
0x7: {  	_ = 	snop  }
0x8: {  	s2 =	sld [smem:$0x3FD0];
	_ =	sdelay $0x2  }
0x9: {  	s17 =	simm.s32 $0xB;
	s4 =	simm.s32 $0x10  }
0xa: {  	[smem:s4], [sflag:s17] =	dma.local [hbm:s2], $0x1  }
0xb: {  	_ =	swait.eq [sflag:s17], $0x1  }
0xc: {  	[sflag:s17] =	ssyncset.done $0x0  }
0xd: {  	[sflag:s17] =	ssyncadd.s32 $0xFFFFFFFF  }
0xe: {  	s18 =	sld [smem:$0x11];
	(tm) =	ssettm $0x1  }
0xf: {  	s19 =	sld [smem:$0x3FFB];
	_ =	sdelay $0x3  }
0x10: {  	_ =	strace s19  }
0x11: {  	s2 =	sld [smem:$0x3FFC];
	_ =	sdelay $0x3  }
0x12: {  	_ =	strace s2  }
0x13: {  	s2 =	sld [smem:$0x3FFD];
	_ =	sdelay $0x3  }
0x14: {  	_ =	strace s2  }
0x15: {  	_ =	strace $0x8FFFFFFF  }
0x16: {  	s20 =	sld [smem:$0x3FDB];
	_ =	sdelay $0x1  }
0x17: {  	s21 =	simm.s32 $_scs_section_size  }
0x18: {  	s5 =	simm.s32 $_size__tile_overlayer_lowered;
	s6 =	simm.s32 $_tile_overlayer_lowered  }
0x19: {  	s7 =	simm.s32 $0x1BFF;
	s22 =	sshll.u32 s6, $0x1;
	s4 =	sadd.s32 s21, s20  }
0x1a: {  	s23 =	simm.s32 $0x0;
	s5 =	sshll.u32 s5, $0x1;
	s6 =	sadd.s32 s22, s4  }
0x1b: {  	[timem:s23], [sflag:s7] =	dma.local [hbm:s6], s5  }
0x1c: {  	_ =	swait.ge [sflag:s7], s5  }
0x1d: {  	s5 =	ssub.s32 $0x0, s5;
	[sflag:s7] =	ssyncset.done $0x0  }
0x1e: {  	[sflag:s7] =	ssyncadd.s32 s5;
	_ =	sdelay $0x1  }
0x1f: {  	s24 =	simm.s32 $0x1B8B  }
0x20: {  	_ =	swait.ge [sflag:s24], $0x1  }
0x21: {  	[sflag:s24] =	ssyncset.done $0x0  }
0x22: {  	[sflag:s24] =	ssyncadd.s32 $0xFFFFFFFF  }
0x23: {  	s5 =	sld [smem:$0x0]  }
0x24: {  	s6 =	sand.u32 $0xFFFFFFFE, s1  }
0x25: {  	p0 =	sne.s32 s1, s6  }
0x26: {  	s6 =	sshll.u32 @p0 s6, $0xE  }
0x27: {  	s6 =	sadd.s32 @p0 $0x11B8D, s6;
	s7 =	sshll.u32 @p0 s5, $0x11  }
0x28: {  	s6 =	sor.u32 @p0 s7, s6  }
0x29: {  	[sflag:s6] =	ssyncadd.remote.s32 @p0 $0x1;
	_ =	sdelay $0x1  }
0x2a: {  	s6 =	simm.s32 @p0 $0x1B8D  }
0x2b: {  	_ =	swait.eq @p0 [sflag:s6], $0x1  }
0x2c: {  	[sflag:s6] =	ssyncadd.s32 @p0 $0xFFFFFFFF  }
0x2d: {  	s7 =	sshll.u32 @!p0 s1, $0xE  }
0x2e: {  	s7 =	sor.u32 @!p0 $0x4000, s7;
	s6 =	simm.s32 @!p0 $0x1B8D  }
0x2f: {  	s5 =	sshll.u32 @!p0 s5, $0x11;
	s7 =	sadd.s32 @!p0 $0x11B8D, s7;
	_ =	swait.eq @!p0 [sflag:s6], $0x1  }
0x30: {  	s5 =	sor.u32 @!p0 s5, s7;
	[sflag:s6] =	ssyncadd.s32 @!p0 $0xFFFFFFFF  }
0x31: {  	s26 =	simm.s32 $0x1B8E;
	s25 =	sld [smem:$0x3FFE];
	[sflag:s5] =	ssyncadd.remote.s32 @!p0 $0x1  }
0x32: {  	s27 =	simm.s32 $execute0_lowered;
	[smem:$0x3FD2] =	sst s26  }
0x33: {  	s6 =	sshll.u32 s27, $0x1;
	_ =	strace $0x80000049;
	[dreg:$0x1] =	wrdreg $0xFFFFFFFF  }
0x34: {  	s28 =	simm.s32 $_size_execute0_lowered;
	s4 =	sadd.s32 s4, s6;
	[dreg:$0x0] =	wrdreg $0x0  }
0x35: {  	s6 =	sshll.u32 s28, $0x1;
	[dreg:$0x2] =	wrdreg s4  }
0x36: {  	[dreg:$0x3] =	wrdreg s6  }
0x37: {  	[dreg:$0x4] =	wrdreg $0xC0  }
0x38: {  	_ =	task [dreg:s23], $0x5FFFF  }
0x39: {  	[dreg:$0x1] =	wrdreg $0xFFFFFFFF  }
0x3a: {  	[dreg:$0x0] =	wrdreg $0x60  }
0x3b: {  	[dreg:$0x2] =	wrdreg s25  }
0x3c: {  	[dreg:$0x3] =	wrdreg s18  }
0x3d: {  	[dreg:$0x4] =	wrdreg $0xA  }
0x3e: {  	_ =	task.clear_ibuf [dreg:s23], $0x5FFFF;
	_ =	strace $0x90000049  }
0x3f: {  	s29 =	simm.s32 $0xA;
	_ =	strace $0x8000004B  }
0x40: {  	_ =	swait.ge [sflag:s29], $0x1  }
0x41: {  	[sflag:s29] =	ssyncadd.s32 $0xFFFFFFFF  }
0x42: {  	_ =	strace $0x9000004B  }
0x43: {  	_ =	sfence  }
0x44: {  	s30 =	sld [smem:$0x0];
	_ =	sdelay $0x2  }
0x45: {  	s31 =	sshll.u32 s1, $0xD;
	s1 =	sshrl.u32 s1, $0x2  }
0x46: {  	s4 =	sand.u32 $0x4000, s31;
	s1 =	sadd.s32 s1, s30  }
0x47: {  	s0 =	sor.u32 s4, s0;
	s1 =	sshll.u32 s1, $0x11  }
0x48: {  	s0 =	sor.u32 s1, s0  }
0x49: {  	s0 =	sadd.s32 $0x8F2B, s0  }
0x4a: {  	[sflag:s0] =	ssyncadd.remote.s32 $0x1  }
0x4b: {  	_ =	sfence.sel $0xFFFF  }
0x4c: {  	[dreg:$0x0] =	wrdreg $0xFFFFFFFF;
	(pc) =	sbr.abs _section_cstart, $3  }
0x4d: {  	[dreg:$0x1] =	wrdreg $0xFFFFFFFF  }
0x4e: {  	_ =	task.clear_ibuf [dreg:s23], $0x2FFFF;
	_ =	strace $0x9FFFFFFF  }
0x4f: {  	(tm) =	ssettm $0x7FFFFFFF  }
tec
execute0_lowered:
.L_overlay_start_1:
0x0: {  	(tag) =	ssettag $0x1  }
0x1: {  	s1 =	rddreg [dreg:$0x0]  }
0x2: {  	s2 =	rddreg [dreg:$0x1]  }
0x3: {  	s0 =	rddreg [dreg:$0x2]  }
0x4: {  	_ =	strace $0x8000004A;
	s4 =	srdreg.scid;
	s6 =	simm.s32 $0x2  }
0x5: {  	s12 =	simm.s32 $0x0;
	p0 =	por $0x0, $0x0;
	s13 =	simm.s32 $0x0  }
0x6: {  	s15 =	simm.s32 $0x0;
	s14 =	simm.s32 $0x0;
	s8 =	simm.s32 $0x0  }
.Ltmp0:
0x7: {  	s9 =	simm.s32 $0x0;
	s10 =	simm.s32 $0x0;
	(pc) =	sbr.rel .LBB1_1-.Ltmp0, $4  }
0x8: {  	s7 =	simm.s32 $0x0;
	s3 =	sadd.s32 $0xE00, s1;
	s5 =	sshll.u32 s4, $0x4  }
0x9: {  	s1 =	stileid.u32;
	s4 =	simm.s32 $0x1;
	s5 =	sand.u32 $0x10, s5  }
0xa: {  	s21 =	simm.s32 $0x0;
	[sflag:s4] =	ssyncpa.u1 $0x0;
	s5 =	sor.u32 s1, s5  }
0xb: {  	[sflag:s6] =	ssyncpa.u1 $0x0;
	s6 =	simm.s32 $0x4000;
	s11 =	smov.u32 s5  }
.LBB1_7:
0xc: {  	s16 =	sadd.s32 $0x100, s8  }
0xd: {  	s12 =	sadd.s32 $0x8, s9;
	s17 =	smov.u32 s9;
	p2 =	sgt.s32 s16, $0x7FF  }
0xe: {  	s17 =	smov.u32 @p2 s12  }
0xf: {  	s18 =	smov.u32 s10;
	s12 =	sadd.s32 $0x8, s10;
	p3 =	sgt.s32 s17, $0x7  }
0x10: {  	s18 =	smov.u32 @p3 s12  }
0x11: {  	s19 =	smov.u32 s11;
	s12 =	sadd.s32 $0x20, s11;
	p4 =	sgt.s32 s18, $0x7  }
0x12: {  	p1 =	slt.u32 s7, $0x2;
	s19 =	smov.u32 @p4 s12  }
0x13: {  	s7 =	sadd.s32 $0x1, s7;
	s16 =	simm.s32 @p2 $0x0;
	p2 =	sgt.s32 s19, $0xFF  }
0x14: {  	s20 =	simm.s32 @!p1 $0x2;
	s19 =	smov.u32 @p2 s5;
	p2 =	sne.s32 s7, $0x42  }
.Ltmp1:
0x15: {  	s13 =	smov.u32 s9;
	_ =	swait.ge @!p1 [sflag:s20], $0x4000;
	(pc) =	sbr.rel @!p2 .LBB1_8-.Ltmp1, $4  }
0x16: {  	s15 =	smov.u32 s10;
	s14 =	smov.u32 s11;
	[sflag:s20] =	ssyncset.done @!p1 $0x0  }
0x17: {  	p0 =	por !p0, !p0;
	s17 =	simm.s32 @p3 $0x0;
	[sflag:s20] =	ssyncadd.s32 @!p1 $0xFFFFC000  }
0x18: {  	s9 =	smov.u32 s17;
	s18 =	simm.s32 @p4 $0x0;
	s12 =	smov.u32 s8  }
0x19: {  	s8 =	smov.u32 s16;
	s10 =	smov.u32 s18;
	s11 =	smov.u32 s19  }
.LBB1_1:
0x1a: {  	p1 =	sgt.u32 s7, $0x3F  }
0x1b: {  	s16 =	sxor.u32 @!p1 $0xFFFFFFFF, s7  }
0x1c: {  	s17 =	sshll.u32 @!p1 s9, $0x7;
	s18 =	sand.u32 @!p1 $0x78, s8;
	s19 =	sshll.u32 @!p1 s8, $0x3  }
0x1d: {  	s20 =	sand.u32 @!p1 $0x700, s8;
	s16 =	sshll.u32 @!p1 s16, $0xE;
	s17 =	sand.u32 @!p1 $0x380, s17  }
0x1e: {  	s19 =	sand.u32 @!p1 $0x400, s19;
	s17 =	sor.u32 @!p1 s17, s18;
	s18 =	sshll.u32 @!p1 s11, $0xE  }
0x1f: {  	s17 =	sor.u32 @!p1 s19, s17;
	s19 =	sshll.u32 @!p1 s10, $0xB;
	s18 =	sadd.s32 @!p1 s3, s18  }
0x20: {  	s16 =	sand.u32 @!p1 $0x4000, s16;
	s18 =	sadd.s32 @!p1 s19, s18;
	s19 =	sand.u32 @!p1 $0x7, s8  }
0x21: {  	s17 =	sshrl.u32 @!p1 s17, $0x3;
	s18 =	sadd.s32 @!p1 s20, s18;
	s19 =	sshll.u32 @!p1 s19, $0x12  }
0x22: {  	s17 =	sadd.s32 @!p1 s17, s18;
	s18 =	sor.u32 @!p1 $0x800, s19;
	s19 =	simm.s32 @!p1 $0x4000  }
0x23: {  	[tilespmem:s16], [sflag:$0x1] =	stream.strided.gather @!p1 [hbm4b:s17+s18], $0x4000, s19, s18, $0x38;
	[tilespmem:$0x10000] =	vst v63  }
0x24: {  	p1 =	seq.s32 s7, $0x0  }
0x25: {  	p2 =	seq.s32 @!p1 s7, $0x41  }
0x26: {  	p1 =	por p1, p2  }
.Ltmp2:
0x27: {  	_ = 	snop;
	(pc) =	sbr.rel @p1 .LBB1_7-.Ltmp2, $1  }
0x28: {  	_ =	sdelay $0x3  }
0x29: {  	s16 =	simm.s32 $0x1  }
0x2a: {  	_ =	swait.ge [sflag:s4], $0x4000;
	s31 =	sshll.u32 s7, $0xE;
	p1 =	por $0x0, $0x0  }
0x2b: {  	s22 =	simm.s32 $0x0;
	s23 =	simm.s32 $0x0;
	s16 =	simm.s32 @!p0 $0x0  }
0x2c: {  	[sflag:s4] =	ssyncset.done $0x0;
	s19 =	sand.u32 $0x4000, s31;
	s16 =	sshll.u32 s16, $0x10  }
0x2d: {  	[sflag:s4] =	ssyncadd.s32 $0xFFFFC000;
	s20 =	sshrl.u32 s16, $0x2;
	s16 =	sor.u32 $0x8000, s19  }
0x2e: {  	s17 =	sor.u32 $0x40, s20;
	s18 =	sor.u32 $0x8410, s20;
	s20 =	sadd.s32 $0x8400, s20  }
.LBB1_3:
0x2f: {  	v1 =	vld [tilespmem:s17+$0xFFFFFFD0]  }
0x30: {  	v2 =	vld [tilespmem:s17+$0x430]  }
0x31: {  	s24 =	sshll.u32 s23, $0xB;
	v4 =	vld [tilespmem:s17+$0xFFFFFFE0]  }
0x32: {  	v7 =	vld [tilespmem:s17+$0xFFFFFFF0];
	v0 =	vmov s24  }
0x33: {  	v8 =	vld [tilespmem:s17+$0x0]  }
0x34: {  	s30 =	sand.u32 $0x300, s21;
	v9 =	vld [tilespmem:s17+$0x10]  }
0x35: {  	s25 =	sand.u32 $0x80, s21;
	v10 =	vld [tilespmem:s17+$0x20];
	s24 =	sadd.s32 s30, s19  }
0x36: {  	v11 =	vld [tilespmem:s17+$0x30];
	s24 =	sadd.s32 s25, s24;
	s25 =	simm.s32 $0x1;
	[tilespmem:s18+$0x60] =	vst v2  }
0x37: {  	s31 =	sshll.u32 s22, $0x2;
	s25 =	simm.s32 @!p1 $0x0;
	[tilespmem:s18+$0xFFFFFC00] =	vst v1;
	v3 =	vld.idx.msk [tilespmem:v0+s24+$0x400 ss:$0x1], $0xffff  }
0x38: {  	v6 =	vld [tilespmem:s17+$0x3D0];
	s25 =	sshll.u32 s25, $0x9;
	[tilespmem:s18+$0xFFFFFC10] =	vst v4;
	s24 =	sand.u32 $0xFFFFFC00, s31  }
0x39: {  	v5 =	vld [tilespmem:s17+$0x3E0];
	[tilespmem:s18+$0xFFFFFC20] =	vst v7;
	s24 =	sor.u32 s25, s24  }
0x3a: {  	[tilespmem:s18+$0xFFFFFC30] =	vst v8;
	v4 =	vld [tilespmem:s17+$0x400];
	s24 =	sshrl.u32 s24, $0x2  }
0x3b: {  	[tilespmem:s18+$0xFFFFFC40] =	vst v9;
	v1 =	vld [tilespmem:s17+$0x410];
	s24 =	sadd.s32 s24, s20  }
0x3c: {  	[tilespmem:s24+$0x0] =	vst v3;
	v3 =	vld [tilespmem:s17+$0x3F0]  }
0x3d: {  	s28 =	simm.s32 $0x80;
	s27 =	simm.s32 $0x100;
	[tilespmem:s18+$0xFFFFFC50] =	vst v10;
	v2 =	vld [tilespmem:s17+$0x420]  }
0x3e: {  	s26 =	smov.u32 s18;
	s29 =	sand.u32 $0x300, s28;
	v7 =	vld [tilespmem:s17+$0xFFFFFFC0];
	[tilespmem:s18+$0xFFFFFC60] =	vst v11;
	s25 =	sadd.s32 $0x80, s17  }
.LBB1_4:
0x3f: {  	p2 =	sne.s32 s27, $0x380;
	v8 =	vld [tilespmem:s25+$0xFFFFFFD0];
	s28 =	sand.u32 $0x80, s28;
	s29 =	sadd.s32 s29, s19;
	[tilespmem:s26+$0x0] =	vst v6  }
0x40: {  	s29 =	sadd.s32 s28, s29;
	v6 =	vld [tilespmem:s25+$0x430];
	[tilespmem:s26+$0x10] =	vst v5;
	s28 =	smov.u32 s27  }
0x41: {  	v5 =	vld.idx.msk [tilespmem:v0+s29+$0x400 ss:$0x1], $0xffff;
	[tilespmem:s26+$0x20] =	vst v3  }
0x42: {  	v3 =	vld [tilespmem:s25+$0xFFFFFFE0];
	[tilespmem:s26+$0x30] =	vst v4  }
0x43: {  	v4 =	vld [tilespmem:s25+$0xFFFFFFF0];
	[tilespmem:s26+$0xFFFFFBF0] =	vst v7  }
0x44: {  	v7 =	vld [tilespmem:s25+$0x0];
	[tilespmem:s26+$0x40] =	vst v1  }
0x45: {  	v1 =	vld [tilespmem:s25+$0x10];
	[tilespmem:s26+$0x50] =	vst v2;
	s26 =	sadd.s32 $0x800, s26  }
0x46: {  	s24 =	sadd.s32 $0x800, s24;
	v2 =	vld [tilespmem:s25+$0x20];
	[tilespmem:s26+$0x60] =	vst v6  }
0x47: {  	v9 =	vld [tilespmem:s25+$0x30];
	[tilespmem:s24+$0x0] =	vst v5  }
0x48: {  	[tilespmem:s26+$0xFFFFFC00] =	vst v8;
	v6 =	vld [tilespmem:s25+$0x3D0]  }
0x49: {  	[tilespmem:s26+$0xFFFFFC10] =	vst v3;
	v5 =	vld [tilespmem:s25+$0x3E0]  }
.Ltmp3:
0x4a: {  	[tilespmem:s26+$0xFFFFFC20] =	vst v4;
	v3 =	vld [tilespmem:s25+$0x3F0];
	(pc) =	sbr.rel @p2 .LBB1_4-.Ltmp3, $4  }
0x4b: {  	[tilespmem:s26+$0xFFFFFC30] =	vst v7;
	v4 =	vld [tilespmem:s25+$0x400]  }
0x4c: {  	[tilespmem:s26+$0xFFFFFC40] =	vst v1;
	v1 =	vld [tilespmem:s25+$0x410]  }
0x4d: {  	[tilespmem:s26+$0xFFFFFC50] =	vst v2;
	v2 =	vld [tilespmem:s25+$0x420]  }
0x4e: {  	s27 =	sadd.s32 $0x80, s27;
	s29 =	sand.u32 $0x300, s28;
	v7 =	vld [tilespmem:s25+$0xFFFFFFC0];
	[tilespmem:s26+$0xFFFFFC60] =	vst v9;
	s25 =	sadd.s32 $0x80, s25  }
0x4f: {  	[tilespmem:s26+$0x0] =	vst v6  }
0x50: {  	[tilespmem:s26+$0x10] =	vst v5  }
0x51: {  	v49 =	vld [tilespmem:s25+$0x430];
	[tilespmem:s26+$0x20] =	vst v3  }
0x52: {  	v50 =	vld [tilespmem:s25+$0xFFFFFFD0];
	[tilespmem:s26+$0x30] =	vst v4  }
0x53: {  	v51 =	vld [tilespmem:s25+$0xFFFFFFE0];
	[tilespmem:s26+$0x40] =	vst v1  }
0x54: {  	v52 =	vld [tilespmem:s25+$0xFFFFFFF0];
	[tilespmem:s26+$0x50] =	vst v2  }
0x55: {  	s31 =	sadd.s32 $0x800, s26;
	v53 =	vld [tilespmem:s25+$0x0];
	[tilespmem:s26+$0xFFFFFBF0] =	vst v7  }
0x56: {  	v54 =	vld [tilespmem:s25+$0x10];
	[tilespmem:s31+$0x60] =	vst v49  }
0x57: {  	v55 =	vld [tilespmem:s25+$0x20];
	[tilespmem:s31+$0xFFFFFC00] =	vst v50  }
0x58: {  	v56 =	vld [tilespmem:s25+$0x30];
	[tilespmem:s31+$0xFFFFFC10] =	vst v51  }
0x59: {  	v57 =	vld [tilespmem:s25+$0x3D0];
	[tilespmem:s31+$0xFFFFFC20] =	vst v52  }
0x5a: {  	v58 =	vld [tilespmem:s25+$0x3E0];
	[tilespmem:s31+$0xFFFFFC30] =	vst v53  }
0x5b: {  	v59 =	vld [tilespmem:s25+$0x3F0];
	[tilespmem:s31+$0xFFFFFC40] =	vst v54  }
0x5c: {  	v60 =	vld [tilespmem:s25+$0x400];
	[tilespmem:s31+$0xFFFFFC50] =	vst v55  }
0x5d: {  	v61 =	vld [tilespmem:s25+$0xFFFFFFC0];
	[tilespmem:s31+$0xFFFFFC60] =	vst v56  }
0x5e: {  	s27 =	sand.u32 $0x80, s28;
	s30 =	sadd.s32 s29, s19;
	v62 =	vld [tilespmem:s25+$0x410];
	[tilespmem:s31+$0x0] =	vst v57  }
0x5f: {  	v63 =	vld [tilespmem:s25+$0x420];
	s23 =	sadd.s32 $0x1, s23;
	s27 =	sadd.s32 s27, s30;
	[tilespmem:s31+$0x10] =	vst v58  }
0x60: {  	p2 =	sne.s32 s23, $0x8;
	v0 =	vld.idx.msk [tilespmem:v0+s27+$0x400 ss:$0x1], $0xffff;
	[tilespmem:s31+$0x20] =	vst v59  }
.Ltmp4:
0x61: {  	[tilespmem:s31+$0x30] =	vst v60;
	(pc) =	sbr.rel @p2 .LBB1_3-.Ltmp4, $4  }
0x62: {  	[tilespmem:s31+$0xFFFFFBF0] =	vst v61  }
0x63: {  	[tilespmem:s31+$0x40] =	vst v62  }
0x64: {  	s24 =	sadd.s32 $0x800, s24;
	s17 =	sadd.s32 $0x800, s17;
	[tilespmem:s31+$0x50] =	vst v63  }
0x65: {  	s22 =	sadd.s32 $0x80, s22;
	p1 =	por !p1, !p1;
	s18 =	sadd.s32 $0x80, s18;
	[tilespmem:s24+$0x0] =	vst v0  }
0x66: {  	s15 =	sshll.u32 s15, $0x7;
	s17 =	sand.u32 $0x78, s12  }
0x67: {  	s18 =	sshll.u32 s12, $0x3;
	s14 =	sshll.u32 s14, $0xE;
	s13 =	sshll.u32 s13, $0xB  }
0x68: {  	s29 =	sand.u32 $0x700, s12;
	s15 =	sand.u32 $0x380, s15;
	s18 =	sand.u32 $0x400, s18  }
.Ltmp5:
0x69: {  	s14 =	sadd.s32 s2, s14;
	s15 =	sor.u32 s15, s17;
	(pc) =	sbr.rel .LBB1_7-.Ltmp5, $4  }
0x6a: {  	s30 =	sand.u32 $0x7, s12;
	s13 =	sadd.s32 s13, s14;
	s15 =	sor.u32 s18, s15  }
0x6b: {  	s12 =	sshll.u32 s30, $0x12;
	s13 =	sadd.s32 s29, s13;
	s31 =	sshrl.u32 s15, $0x3  }
0x6c: {  	s12 =	sor.u32 $0x800, s12;
	s13 =	sadd.s32 s31, s13  }
0x6d: {  	[hbm4b:s13+s12] =	stream.strided.scatter [tilespmem:s16], [sflag:$0x2], $0x4000, s6, s12, $0x38;
	[tilespmem:$0x10000] =	vst v63  }
.LBB1_8:
0x6e: {  	_ =	sfence.sel $0x180000  }
0x6f: {  	s2 =	simm.s32 $0x1;
	[bflag:$0x0] =	sbarrier.arrive $0xFFFF  }
0x70: {  	s31 =	simm.s32 $0x2;
	[sflag:s2] =	ssyncpa.u1 $0x1  }
0x71: {  	[sflag:s31] =	ssyncpa.u1 $0x1  }
0x72: {  	p0 =	sne.s32 s1, $0x0;
	_ =	strace $0x9000004A  }
0x73: {  	s0 =	sadd.s32 @!p0 $0x100000, s0;
	[bflag:$0x2] =	sbarrier.arrive $0xFFFF  }
0x74: {  	[sflag:s0] =	ssyncadd.tile.s32 @!p0 $0x1;
	_ =	shalt  }
.Lfunc_end1:
_tile_overlayer_lowered:
.L_overlay_start_2:
0x75: {  	(tag) =	ssettag $0x2  }
0x76: {  	s0 =	rddreg [dreg:$0x0];
	s2 =	stileid.u32  }
0x77: {  	s1 =	rddreg [dreg:$0x1];
	p0 =	sne.s32 s2, $0x0  }
0x78: {  	s3 =	rddreg [dreg:$0x2];
	[bflag:$0x3] =	sbarrier.arrive $0xFFFF;
	s2 =	simm.s32 @!p0 $0x1C01  }
0x79: {  	[timem:s3], [sflag:s2] =	dma.local @!p0 [hbm:s0], s1  }
0x7a: {  	s0 =	simm.s32 @!p0 $0x1  }
0x7b: {  	_ =	swait.ge @!p0 [sflag:s0], s1  }
0x7c: {  	s1 =	ssub.s32 @!p0 $0x0, s1;
	[sflag:s0] =	ssyncset.done @!p0 $0x0  }
0x7d: {  	[sflag:s0] =	ssyncadd.s32 @!p0 s1  }
0x7e: {  	[bflag:$0x3] =	sbarrier.arrive $0xFFFF  }
0x7f: {  	_ =	shalt  }

// kernel: sparse-core-data-format-call.cloned.1.call-start
scs
called_computation_lowered:
.L_overlay_start_0:
0x0: {  	s2 =	sld [smem:$0x3FD9]  }
0x1: {  	s3 =	sld [smem:$0x3FFE];
	_ =	sdelay $0x1  }
0x2: {  	s1 =	srdreg.scid  }
0x3: {  	s0 =	sand.u32 $0x1, s1  }
0x4: {  	s15 =	sshll.u32 s0, $0xA;
	s2 =	sadd.s32 s3, s2  }
0x5: {  	s2 =	sadd.s32 s2, s15  }
0x6: {  	[smem:$0x3FC5] =	sst s2  }
0x7: {  	_ = 	snop  }
0x8: {  	s2 =	sld [smem:$0x3FD0];
	_ =	sdelay $0x2  }
0x9: {  	s16 =	simm.s32 $0xB;
	s4 =	simm.s32 $0x10  }
0xa: {  	[smem:s4], [sflag:s16] =	dma.local [hbm:s2], $0x1  }
0xb: {  	_ =	swait.eq [sflag:s16], $0x1  }
0xc: {  	[sflag:s16] =	ssyncset.done $0x0  }
0xd: {  	[sflag:s16] =	ssyncadd.s32 $0xFFFFFFFF  }
0xe: {  	s17 =	sld [smem:$0x12];
	(tm) =	ssettm $0x1  }
0xf: {  	s18 =	sld [smem:$0x3FFB];
	_ =	sdelay $0x3  }
0x10: {  	_ =	strace s18  }
0x11: {  	s3 =	sld [smem:$0x3FFC];
	_ =	sdelay $0x3  }
0x12: {  	_ =	strace s3  }
0x13: {  	s3 =	sld [smem:$0x3FFD];
	_ =	sdelay $0x3  }
0x14: {  	_ =	strace s3  }
0x15: {  	_ =	strace $0x8FFFFFFF  }
0x16: {  	s19 =	sld [smem:$0x3FDB];
	_ =	sdelay $0x1  }
0x17: {  	s20 =	simm.s32 $_scs_section_size  }
0x18: {  	s5 =	simm.s32 $_size__tile_overlayer_lowered;
	s6 =	simm.s32 $_tile_overlayer_lowered  }
0x19: {  	s23 =	simm.s32 $0x1BFF;
	s22 =	sshll.u32 s6, $0x1;
	s3 =	sadd.s32 s20, s19  }
0x1a: {  	s7 =	simm.s32 $0x0;
	s21 =	sshll.u32 s5, $0x1;
	s5 =	sadd.s32 s22, s3  }
0x1b: {  	[timem:s7], [sflag:s23] =	dma.local [hbm:s5], s21  }
0x1c: {  	_ =	swait.ge [sflag:s23], s21  }
0x1d: {  	s4 =	ssub.s32 $0x0, s21;
	[sflag:s23] =	ssyncset.done $0x0  }
0x1e: {  	[sflag:s23] =	ssyncadd.s32 s4;
	_ =	sdelay $0x1  }
0x1f: {  	s24 =	simm.s32 $0x1B8B  }
0x20: {  	_ =	swait.ge [sflag:s24], $0x1  }
0x21: {  	[sflag:s24] =	ssyncset.done $0x0  }
0x22: {  	s26 =	simm.s32 $0x1B8E;
	s25 =	sld [smem:$0x3FFE];
	[sflag:s24] =	ssyncadd.s32 $0xFFFFFFFF  }
0x23: {  	s27 =	simm.s32 $execute0_lowered;
	[smem:$0x3FD2] =	sst s26  }
0x24: {  	s5 =	sshll.u32 s27, $0x1;
	_ =	strace $0x80000046;
	[dreg:$0x1] =	wrdreg $0xFFFFFFFF  }
0x25: {  	s28 =	simm.s32 $_size_execute0_lowered;
	s3 =	sadd.s32 s3, s5;
	[dreg:$0x0] =	wrdreg $0x0  }
0x26: {  	s5 =	sshll.u32 s28, $0x1;
	[dreg:$0x2] =	wrdreg s3  }
0x27: {  	[dreg:$0x3] =	wrdreg s5  }
0x28: {  	[dreg:$0x4] =	wrdreg $0xC0  }
0x29: {  	_ =	task [dreg:s7], $0x5FFFF  }
0x2a: {  	[dreg:$0x1] =	wrdreg $0xFFFFFFFF  }
0x2b: {  	[dreg:$0x0] =	wrdreg $0x60  }
0x2c: {  	[dreg:$0x2] =	wrdreg s25  }
0x2d: {  	[dreg:$0x3] =	wrdreg s17  }
0x2e: {  	[dreg:$0x4] =	wrdreg $0x9  }
0x2f: {  	_ =	task.clear_ibuf [dreg:s7], $0x5FFFF;
	_ =	strace $0x90000046  }
0x30: {  	s29 =	simm.s32 $0x9;
	_ =	strace $0x80000048  }
0x31: {  	_ =	swait.ge [sflag:s29], $0x1  }
0x32: {  	[sflag:s29] =	ssyncadd.s32 $0xFFFFFFFF  }
0x33: {  	_ =	strace $0x90000048  }
0x34: {  	_ =	sfence  }
0x35: {  	s30 =	sld [smem:$0x0];
	_ =	sdelay $0x2  }
0x36: {  	s31 =	sshll.u32 s1, $0xD;
	s1 =	sshrl.u32 s1, $0x2  }
0x37: {  	s3 =	sand.u32 $0x4000, s31;
	s1 =	sadd.s32 s1, s30  }
0x38: {  	s0 =	sor.u32 s3, s0;
	s1 =	sshll.u32 s1, $0x11  }
0x39: {  	s0 =	sor.u32 s1, s0  }
0x3a: {  	s0 =	sadd.s32 $0x8F2B, s0  }
0x3b: {  	[sflag:s0] =	ssyncadd.remote.s32 $0x1  }
0x3c: {  	_ =	sfence.sel $0xFFFF  }
0x3d: {  	[dreg:$0x0] =	wrdreg $0xFFFFFFFF;
	(pc) =	sbr.abs _section_cstart, $3  }
0x3e: {  	[dreg:$0x1] =	wrdreg $0xFFFFFFFF  }
0x3f: {  	_ =	task.clear_ibuf [dreg:s7], $0x2FFFF;
	_ =	strace $0x9FFFFFFF  }
0x40: {  	(tm) =	ssettm $0x7FFFFFFF  }
0x41: {  	_ =	shalt  }
tec
execute0_lowered:
.L_overlay_start_1:
0x0: {  	(tag) =	ssettag $0x1  }
0x1: {  	s0 =	rddreg [dreg:$0x0];
	_ =	strace $0x80000047;
	s1 =	srdreg.scid  }
0x2: {  	s3 =	stileid.u32;
	s2 =	simm.s32 $0x1;
	s31 =	simm.s32 $0x2  }
0x3: {  	s12 =	simm.s32 $0x0;
	s13 =	simm.s32 $0x0;
	s15 =	simm.s32 $0x0  }
.Ltmp0:
0x4: {  	s14 =	simm.s32 $0x0;
	s8 =	simm.s32 $0x0;
	(pc) =	sbr.rel .LBB1_1-.Ltmp0, $4  }
0x5: {  	s9 =	simm.s32 $0x0;
	s10 =	simm.s32 $0x0;
	s1 =	sshll.u32 s1, $0x4  }
0x6: {  	s7 =	simm.s32 $0x0;
	s5 =	sadd.s32 $0x400E00, s0;
	s1 =	sand.u32 $0x10, s1  }
0x7: {  	[sflag:s2] =	ssyncpa.u1 $0x0;
	[dreg:$0x11] =	wrdreg s5;
	s6 =	sor.u32 s3, s1  }
0x8: {  	[sflag:s31] =	ssyncpa.u1 $0x0;
	s11 =	smov.u32 s6;
	[dreg:$0x12] =	wrdreg s6  }
.LBB1_9:
0x9: {  	s0 =	sadd.s32 $0x200, s8  }
0xa: {  	s1 =	sadd.s32 $0x8, s9;
	s2 =	smov.u32 s9;
	p1 =	sgt.s32 s0, $0x7FF  }
0xb: {  	s2 =	smov.u32 @p1 s1  }
0xc: {  	s3 =	smov.u32 s10;
	s1 =	sadd.s32 $0x8, s10;
	p2 =	sgt.s32 s2, $0x7  }
0xd: {  	s3 =	smov.u32 @p2 s1  }
0xe: {  	s4 =	smov.u32 s11;
	s1 =	sadd.s32 $0x20, s11;
	p3 =	sgt.s32 s3, $0x7  }
0xf: {  	p0 =	slt.u32 s7, $0x2;
	s4 =	smov.u32 @p3 s1  }
0x10: {  	s7 =	sadd.s32 $0x1, s7;
	s0 =	simm.s32 @p1 $0x0;
	p1 =	sgt.s32 s4, $0xFF  }
0x11: {  	s4 =	smov.u32 @p1 s6;
	p1 =	sne.s32 s7, $0x22  }
.Ltmp1:
0x12: {  	s12 =	smov.u32 s8;
	s13 =	smov.u32 s9;
	(pc) =	sbr.rel @!p1 .LBB1_10-.Ltmp1, $4  }
0x13: {  	s15 =	smov.u32 s10;
	s14 =	smov.u32 s11;
	s1 =	simm.s32 @!p0 $0x2  }
0x14: {  	s8 =	smov.u32 s0;
	s2 =	simm.s32 @p2 $0x0;
	_ =	swait.ge @!p0 [sflag:s1], $0x2000  }
0x15: {  	s9 =	smov.u32 s2;
	s3 =	simm.s32 @p3 $0x0;
	[sflag:s1] =	ssyncset.done @!p0 $0x0  }
0x16: {  	s10 =	smov.u32 s3;
	[sflag:s1] =	ssyncadd.s32 @!p0 $0xFFFFE000;
	s11 =	smov.u32 s4  }
.LBB1_1:
0x17: {  	p0 =	sgt.u32 s7, $0x1F  }
0x18: {  	s0 =	sshll.u32 @!p0 s8, $0x3;
	s1 =	sshll.u32 @!p0 s9, $0x7;
	s2 =	sshll.u32 @!p0 s8, $0x2  }
0x19: {  	s3 =	sshrl.u32 @!p0 s8, $0x2;
	s1 =	sand.u32 @!p0 $0x200, s1;
	s0 =	sand.u32 @!p0 $0x400, s0  }
0x1a: {  	s2 =	sand.u32 @!p0 $0x1E0, s2;
	s0 =	sor.u32 @!p0 s1, s0;
	s1 =	sshll.u32 @!p0 s11, $0xC  }
0x1b: {  	s0 =	sor.u32 @!p0 s2, s0;
	s2 =	sshll.u32 @!p0 s10, $0x9;
	s1 =	sadd.s32 @!p0 s5, s1  }
0x1c: {  	s4 =	sxor.u32 @!p0 $0xFFFFFFFF, s7;
	s3 =	sand.u32 @!p0 $0x1C0, s3;
	s1 =	sadd.s32 @!p0 s2, s1  }
0x1d: {  	s0 =	sshrl.u32 @!p0 s0, $0x5;
	s2 =	sand.u32 @!p0 $0x7, s8;
	s1 =	sadd.s32 @!p0 s3, s1  }
0x1e: {  	s2 =	sshll.u32 @!p0 s2, $0x12;
	s0 =	sadd.s32 @!p0 s0, s1;
	s1 =	sshll.u32 @!p0 s4, $0xD  }
0x1f: {  	s3 =	simm.s32 @!p0 $0x1000;
	s2 =	sor.u32 @!p0 $0x400, s2;
	s1 =	sand.u32 @!p0 $0x2000, s1  }
0x20: {  	[tilespmem:s1], [sflag:$0x1] =	stream.strided.gather @!p0 [hbm4b:s0+s2], $0x2000, s3, s2, $0x38;
	[tilespmem:$0x8000] =	vst v63  }
0x21: {  	p0 =	seq.s32 s7, $0x0  }
0x22: {  	p1 =	seq.s32 @!p0 s7, $0x21  }
0x23: {  	p0 =	por p0, p1  }
.Ltmp2:
0x24: {  	_ = 	snop;
	(pc) =	sbr.rel @p0 .LBB1_9-.Ltmp2, $1  }
0x25: {  	_ =	sdelay $0x3  }
0x26: {  	[dreg:$0x1b] =	wrdreg s15  }
0x27: {  	[dreg:$0x1a] =	wrdreg s14  }
0x28: {  	[dreg:$0x19] =	wrdreg s13  }
0x29: {  	[dreg:$0x18] =	wrdreg s12  }
0x2a: {  	[dreg:$0x17] =	wrdreg s11  }
0x2b: {  	[dreg:$0x16] =	wrdreg s10  }
0x2c: {  	[dreg:$0x15] =	wrdreg s9  }
0x2d: {  	[dreg:$0x14] =	wrdreg s8;
	s1 =	simm.s32 $0x1;
	s0 =	sshll.u32 s7, $0xD  }
0x2e: {  	p1 =	por $0x1, $0x1;
	_ =	swait.ge [sflag:s1], $0x2000;
	s25 =	sand.u32 $0x2000, s0  }
0x2f: {  	[dreg:$0x13] =	wrdreg s7;
	[sflag:s1] =	ssyncset.done $0x0;
	s0 =	sor.u32 $0x4000, s25  }
0x30: {  	[sflag:s1] =	ssyncadd.s32 $0xFFFFE000;
	[dreg:$0x1c] =	wrdreg s0;
	s0 =	simm.s32 $0x0  }
.LBB1_3:
0x31: {  	s1 =	sshll.u32 s0, $0xA;
	s31 =	sshll.u32 s0, $0x7  }
0x32: {  	s7 =	sadd.s32 s1, s25;
	[dreg:$0x6] =	wrdreg s31  }
0x33: {  	p0 =	por p1, p1;
	s2 =	sadd.s32 $0x400, s7;
	[dreg:$0xb] =	wrdreg s7  }
0x34: {  	s1 =	sor.u32 $0xC00, s1;
	s30 =	sadd.s32 $0x800, s7;
	[dreg:$0x4] =	wrdreg s2  }
0x35: {  	p2 =	por $0x1, $0x1;
	s0 =	simm.s32 $0x0;
	v0 =	vmov s1;
	[dreg:$0x5] =	wrdreg s30  }
.LBB1_4:
0x36: {  	s1 =	sshll.u32 s0, $0xA;
	s9 =	sshll.u32 s0, $0x7;
	s10 =	rddreg [dreg:$0x1c]  }
0x37: {  	s20 =	simm.s32 $0x0;
	s13 =	rddreg [dreg:$0x4];
	s1 =	sand.u32 $0x3FFFFC00, s1  }
0x38: {  	[dreg:$0x3] =	wrdreg s9;
	s2 =	sand.u32 $0xC00, s20;
	s3 =	sand.u32 $0x100, s20  }
0x39: {  	s8 =	sadd.s32 s1, s10;
	s11 =	rddreg [dreg:$0x3];
	s5 =	sor.u32 $0xC0, s3  }
0x3a: {  	s0 =	sadd.s32 $0x400, s8;
	s12 =	sadd.s32 $0x800, s8;
	s1 =	sor.u32 s11, s2  }
0x3b: {  	s4 =	sadd.s32 $0xC00, s8;
	[dreg:$0x7] =	wrdreg s0;
	s1 =	sshrl.u32 s1, $0x2  }
0x3c: {  	s21 =	sshrl.u32 s5, $0x2;
	[dreg:$0x8] =	wrdreg s12;
	s6 =	sadd.s32 s1, s7  }
0x3d: {  	[dreg:$0x9] =	wrdreg s4;
	s14 =	sadd.s32 s1, s13;
	s15 =	sadd.s32 s21, s6  }
0x3e: {  	s9 =	rddreg [dreg:$0x5];
	s10 =	sadd.s32 s1, s25;
	s16 =	sadd.s32 s21, s14;
	v7 =	vld [tilespmem:s15+$0x0]  }
0x3f: {  	s9 =	sadd.s32 s1, s9;
	s17 =	sadd.s32 s21, s10;
	v5 =	vld [tilespmem:s16+$0x0]  }
0x40: {  	s1 =	sshrl.u32 s3, $0x2;
	s11 =	sadd.s32 s21, s9;
	v21 =	vld.idx.msk [tilespmem:v0+s17+$0x0 ss:$0x1], $0xffff  }
0x41: {  	s12 =	sadd.s32 s1, s10;
	v6 =	vld [tilespmem:s11+$0x0]  }
0x42: {  	s22 =	sadd.s32 s1, s6;
	v8 =	vld.idx.msk [tilespmem:v0+s12+$0x0 ss:$0x1], $0xffff  }
0x43: {  	s18 =	sor.u32 $0x40, s3;
	s23 =	sadd.s32 s1, s14;
	v24 =	vld [tilespmem:s22+$0x0]  }
0x44: {  	s0 =	sshrl.u32 s18, $0x2;
	s24 =	sadd.s32 s1, s9;
	v28 =	vld [tilespmem:s23+$0x0]  }
0x45: {  	s3 =	sor.u32 $0x80, s3;
	s26 =	sadd.s32 s0, s6;
	v29 =	vld [tilespmem:s24+$0x0]  }
0x46: {  	s5 =	sshrl.u32 s3, $0x2;
	v32 =	vld [tilespmem:s26+$0x0];
	v1 =	vshrl.u32 v7, $0x18;
	v3 =	vshrl.u32 v7, $0x8;
	v2 =	vand.u32 $0xFF, v7  }
0x47: {  	s19 =	sadd.s32 s0, s10;
	s10 =	sadd.s32 s5, s10;
	v9 =	vshrl.u32 v5, $0x8;
	v7 =	vshrl.u32 v7, $0x10;
	v10 =	vshrl.u32 v5, $0x10  }
0x48: {  	s11 =	sadd.s32 s0, s14;
	v15 =	vld.idx.msk [tilespmem:v0+s10+$0x0 ss:$0x1], $0xffff;
	v12 =	vshrl.u32 v6, $0x10;
	v13 =	vshrl.u32 v21, $0x10;
	v14 =	vshrl.u32 v8, $0x10  }
0x49: {  	s12 =	sadd.s32 s0, s9;
	v34 =	vld [tilespmem:s11+$0x0];
	v17 =	vshrl.u32 v24, $0x10;
	v18 =	vshrl.u32 v24, $0x8;
	v19 =	vshrl.u32 v21, $0x8  }
0x4a: {  	s13 =	sadd.s32 s5, s6;
	v35 =	vld [tilespmem:s12+$0x0];
	v20 =	vshrl.u32 v28, $0x10;
	v22 =	vshrl.u32 v28, $0x8;
	v23 =	vshrl.u32 v29, $0x10  }
0x4b: {  	s4 =	sadd.s32 s5, s14;
	v37 =	vld [tilespmem:s13+$0x0];
	v25 =	vshrl.u32 v29, $0x8;
	v26 =	vshrl.u32 v32, $0x10;
	v27 =	vshrl.u32 v32, $0x8  }
0x4c: {  	s14 =	sadd.s32 s5, s9;
	v41 =	vld [tilespmem:s4+$0x0];
	v33 =	vshrl.u32 v6, $0x8;
	v58 =	vand.u32 $0xFF, v8;
	v63 =	vand.u32 $0xFF, v28  }
0x4d: {  	v45 =	vld [tilespmem:s14+$0x0];
	v4 =	vand.u32 $0xFF, v3;
	v3 =	vshrl.u32 v5, $0x18;
	v9 =	vand.u32 $0xFF, v9  }
0x4e: {  	v7 =	vand.u32 $0xFF, v7;
	v10 =	vand.u32 $0xFF, v10;
	v12 =	vand.u32 $0xFF, v12  }
0x4f: {  	v13 =	vand.u32 $0xFF, v13;
	v16 =	vshrl.u32 v15, $0x8;
	v30 =	vshrl.u32 v34, $0x10  }
0x50: {  	v31 =	vshrl.u32 v34, $0x8;
	v46 =	vand.u32 $0xFF, v14;
	v36 =	vshrl.u32 v35, $0x10  }
0x51: {  	v38 =	vshrl.u32 v35, $0x8;
	v39 =	vshrl.u32 v37, $0x10;
	v40 =	vshrl.u32 v37, $0x8  }
0x52: {  	v11 =	vld.idx.msk [tilespmem:v0+s19+$0x0 ss:$0x1], $0xffff;
	v43 =	vshrl.u32 v41, $0x10;
	v44 =	vshrl.u32 v41, $0x8;
	v48 =	vshrl.u32 v45, $0x8  }
0x53: {  	v54 =	vand.u32 $0xFF, v19;
	v55 =	vand.u32 $0xFF, v18;
	v50 =	vand.u32 $0xFF, v20  }
0x54: {  	v56 =	vand.u32 $0xFF, v22;
	v57 =	vand.u32 $0xFF, v25;
	v14 =	vand.u32 $0xFF, v26  }
0x55: {  	v19 =	vand.u32 $0xFF, v27;
	v25 =	vand.u32 $0xFF, v33;
	v27 =	vand.u32 $0xFF, v24  }
0x56: {  	v33 =	vand.u32 $0xFF, v29;
	v7 =	vpack.i.b32.b16 v12, v7;
	v10 =	vpack.i.b32.b16 v13, v10  }
0x57: {  	v12 =	vshrl.u32 v8, $0x8;
	v13 =	vshrl.u32 v11, $0x10;
	v53 =	vand.u32 $0xFF, v16  }
0x58: {  	v16 =	vand.u32 $0xFF, v23;
	v59 =	vand.u32 $0xFF, v30;
	v60 =	vand.u32 $0xFF, v31  }
0x59: {  	v22 =	vand.u32 $0xFF, v36;
	v26 =	vand.u32 $0xFF, v38;
	v18 =	vand.u32 $0xFF, v39  }
0x5a: {  	v20 =	vand.u32 $0xFF, v40;
	v61 =	vand.u32 $0xFF, v43;
	v62 =	vand.u32 $0xFF, v44  }
0x5b: {  	v30 =	vand.u32 $0xFF, v48;
	v38 =	vshrl.u32 v28, $0x18;
	v31 =	vshrl.u32 v29, $0x18  }
0x5c: {  	v29 =	vand.u32 $0xFF, v32;
	v40 =	vshrl.u32 v34, $0x18;
	v43 =	vand.u32 $0xFF, v34  }
0x5d: {  	v36 =	vand.u32 $0xFF, v35;
	v28 =	vshrl.u32 v37, $0x18;
	v34 =	vand.u32 $0xFF, v37  }
0x5e: {  	v39 =	vshrl.u32 v41, $0x18;
	v44 =	vand.u32 $0xFF, v41;
	v37 =	vand.u32 $0xFF, v45  }
0x5f: {  	s18 =	rddreg [dreg:$0x9];
	v41 =	vand.u32 $0xFF, v5;
	v5 =	vshrl.u32 v6, $0x18;
	v6 =	vand.u32 $0xFF, v6  }
0x60: {  	s29 =	simm.s32 $0x0;
	s15 =	rddreg [dreg:$0x6];
	v50 =	vpack.i.b32.b16 v46, v50;
	v9 =	vpack.i.b32.b16 v54, v9;
	v42 =	vpack.i.b16.b8 v10, v7  }
0x61: {  	p1 =	por p2, p2;
	s16 =	rddreg [dreg:$0x7];
	s2 =	sor.u32 s15, s2;
	v7 =	vshrl.u32 v11, $0x8;
	v10 =	vshrl.u32 v15, $0x10;
	v47 =	vand.u32 $0xFF, v12  }
0x62: {  	s30 =	simm.s32 $0x0;
	s17 =	rddreg [dreg:$0x8];
	s2 =	sshrl.u32 s2, $0x2;
	v51 =	vand.u32 $0xFF, v13;
	v13 =	vand.u32 $0xFF, v17;
	v12 =	vshrl.u32 v11, $0x18  }
0x63: {  	[dreg:$0xa] =	wrdreg s8;
	s19 =	sadd.s32 s2, s8;
	s22 =	sadd.s32 s2, s16;
	v17 =	vand.u32 $0xFF, v11;
	v11 =	vshrl.u32 v15, $0x18;
	v15 =	vand.u32 $0xFF, v15  }
0x64: {  	s6 =	sadd.s32 s2, s17;
	s23 =	sadd.s32 s2, s18;
	s13 =	sadd.s32 s1, s19;
	v46 =	vpack.i.b32.b16 v53, v62;
	v49 =	vand.u32 $0xFF, v7;
	v7 =	vshrl.u32 v45, $0x10  }
0x65: {  	s24 =	sadd.s32 s21, s6;
	s4 =	sadd.s32 s1, s22;
	s3 =	sadd.s32 s1, s6;
	v52 =	vand.u32 $0xFF, v10;
	v10 =	vshrl.u32 v8, $0x18;
	v8 =	vshrl.u32 v21, $0x18  }
0x66: {  	s31 =	sadd.s32 s1, s23;
	s28 =	sadd.s32 s0, s19;
	s2 =	sadd.s32 s0, s22;
	v48 =	vpack.i.b32.b16 v47, v56;
	v47 =	vpack.i.b32.b16 v51, v59;
	[tilespmem:s24+$0x0] =	vst v42;
	v42 =	vpack.i.b32.b16 v58, v63  }
0x67: {  	s27 =	sadd.s32 s0, s6;
	s14 =	sadd.s32 s0, s23;
	s15 =	sadd.s32 s5, s19;
	v51 =	vpack.i.b32.b16 v57, v55;
	v23 =	vand.u32 $0xFF, v7;
	v7 =	vand.u32 $0xFF, v21  }
0x68: {  	s0 =	sadd.s32 s5, s22;
	s1 =	sadd.s32 s5, s6;
	s26 =	sadd.s32 s5, s23;
	v21 =	vshrl.u32 v24, $0x18;
	v24 =	vshrl.u32 v32, $0x18;
	v32 =	vshrl.u32 v35, $0x18  }
0x69: {  	s8 =	sadd.s32 s21, s19;
	s6 =	sadd.s32 s21, s22;
	s9 =	sadd.s32 s21, s23;
	v35 =	vshrl.u32 v45, $0x18;
	v49 =	vpack.i.b32.b16 v49, v60;
	v45 =	vpack.i.b32.b16 v52, v61  }
.LBB1_5:
0x6a: {  	s30 =	sadd.s32 $0x200, s30  }
0x6b: {  	s5 =	rddreg [dreg:$0x3];
	s20 =	sadd.s32 $0x100, s20;
	s12 =	sand.u32 $0xC00, s30  }
0x6c: {  	[dreg:$0xf] =	wrdreg s14;
	v13 =	vpack.i.b32.b16 v16, v13;
	s11 =	sand.u32 $0x100, s20;
	s5 =	sor.u32 s5, s12  }
0x6d: {  	[dreg:$0xd] =	wrdreg s8;
	v10 =	vpack.i.b32.b16 v10, v38;
	v16 =	vpack.i.b32.b16 v17, v43;
	v17 =	vpack.i.b32.b16 v26, v19;
	s18 =	sor.u32 $0xC0, s11;
	s24 =	sshrl.u32 s5, $0x2  }
0x6e: {  	v14 =	vpack.i.b32.b16 v22, v14;
	v12 =	vpack.i.b32.b16 v12, v40;
	s23 =	rddreg [dreg:$0x4];
	v15 =	vpack.i.b32.b16 v15, v44;
	s5 =	sshrl.u32 s18, $0x2;
	s10 =	sadd.s32 s24, s7  }
0x6f: {  	v19 =	vpack.i.b32.b16 v30, v20;
	v18 =	vpack.i.b32.b16 v23, v18;
	v11 =	vpack.i.b32.b16 v11, v39;
	s19 =	rddreg [dreg:$0x5];
	s7 =	sadd.s32 s24, s23;
	s16 =	sadd.s32 s5, s10  }
0x70: {  	v20 =	vpack.i.b32.b16 v7, v41;
	v4 =	vpack.i.b32.b16 v25, v4;
	v22 =	vpack.i.b32.b16 v33, v27;
	s8 =	sor.u32 $0x40, s11;
	s17 =	sadd.s32 s24, s25;
	s22 =	sadd.s32 s5, s7;
	v26 =	vld [tilespmem:s16+$0x0]  }
0x71: {  	v2 =	vpack.i.b32.b16 v6, v2;
	v1 =	vpack.i.b32.b16 v5, v1;
	v6 =	vpack.i.b16.b8 v48, v51;
	s14 =	sshrl.u32 s8, $0x2;
	s8 =	sadd.s32 s24, s19;
	s23 =	sadd.s32 s5, s17;
	v5 =	vld [tilespmem:s22+$0x0]  }
0x72: {  	[dreg:$0xc] =	wrdreg s9;
	v21 =	vpack.i.b32.b16 v31, v21;
	v13 =	vpack.i.b16.b8 v50, v13;
	[tilespmem:s4+$0x0] =	vst v6;
	s9 =	sshrl.u32 s11, $0x2;
	s24 =	sadd.s32 s5, s8;
	v7 =	vld.idx.msk [tilespmem:v0+s23+$0x0 ss:$0x1], $0xffff  }
0x73: {  	v3 =	vpack.i.b32.b16 v8, v3;
	v8 =	vpack.i.b32.b16 v36, v29;
	v23 =	vpack.i.b32.b16 v32, v24;
	s21 =	sor.u32 $0x80, s11;
	[tilespmem:s3+$0x0] =	vst v13;
	s18 =	sadd.s32 s9, s17;
	v6 =	vld [tilespmem:s24+$0x0]  }
0x74: {  	[dreg:$0xe] =	wrdreg s15;
	v25 =	vpack.i.b32.b16 v35, v28;
	v13 =	vpack.i.b16.b8 v16, v8;
	v16 =	vpack.i.b16.b8 v12, v23;
	s15 =	sshrl.u32 s21, $0x2;
	s4 =	sadd.s32 s14, s17;
	v12 =	vld.idx.msk [tilespmem:v0+s18+$0x0 ss:$0x1], $0xffff  }
0x75: {  	v24 =	vpack.i.b32.b16 v37, v34;
	v17 =	vpack.i.b16.b8 v49, v17;
	v23 =	vpack.i.b16.b8 v11, v25;
	s17 =	sadd.s32 s15, s17;
	v11 =	vld.idx.msk [tilespmem:v0+s4+$0x0 ss:$0x1], $0xffff  }
0x76: {  	v14 =	vpack.i.b16.b8 v47, v14;
	v19 =	vpack.i.b16.b8 v46, v19;
	v18 =	vpack.i.b16.b8 v45, v18;
	s3 =	sadd.s32 s9, s7;
	v8 =	vld.idx.msk [tilespmem:v0+s17+$0x0 ss:$0x1], $0xffff  }
0x77: {  	[dreg:$0x10] =	wrdreg s13;
	v22 =	vpack.i.b16.b8 v42, v22;
	v10 =	vpack.i.b16.b8 v10, v21;
	v21 =	vpack.i.b16.b8 v9, v4;
	s19 =	sadd.s32 s9, s8;
	[tilespmem:s2+$0x0] =	vst v17;
	v28 =	vld [tilespmem:s3+$0x0]  }
0x78: {  	v15 =	vpack.i.b16.b8 v15, v24;
	v20 =	vpack.i.b16.b8 v20, v2;
	v25 =	vpack.i.b16.b8 v3, v1;
	s21 =	rddreg [dreg:$0x6];
	s16 =	sadd.s32 s9, s10;
	s18 =	sadd.s32 s14, s10;
	[tilespmem:s27+$0x0] =	vst v14;
	v29 =	vld [tilespmem:s19+$0x0]  }
0x79: {  	s23 =	sadd.s32 s14, s8;
	s24 =	sadd.s32 s15, s10;
	[tilespmem:s0+$0x0] =	vst v19;
	v24 =	vld [tilespmem:s16+$0x0];
	s16 =	sor.u32 s21, s12;
	v1 =	vshrl.u32 v26, $0x18;
	v3 =	vshrl.u32 v26, $0x8;
	v2 =	vand.u32 $0xFF, v26  }
0x7a: {  	s10 =	sadd.s32 s15, s8;
	s8 =	rddreg [dreg:$0x8];
	[tilespmem:s6+$0x0] =	vst v21;
	s0 =	sshrl.u32 s16, $0x2;
	v9 =	vshrl.u32 v5, $0x8;
	v14 =	vshrl.u32 v26, $0x10;
	v17 =	vshrl.u32 v5, $0x10  }
0x7b: {  	s22 =	sadd.s32 s14, s7;
	v32 =	vld [tilespmem:s18+$0x0];
	[tilespmem:s31+$0x0] =	vst v10;
	s21 =	sadd.s32 s0, s8;
	s8 =	rddreg [dreg:$0x10];
	v19 =	vshrl.u32 v6, $0x10;
	v26 =	vshrl.u32 v7, $0x10;
	v21 =	vshrl.u32 v12, $0x10  }
0x7c: {  	v34 =	vld [tilespmem:s22+$0x0];
	[tilespmem:s8+$0x0] =	vst v22;
	v10 =	vshrl.u32 v11, $0x8;
	v22 =	vshrl.u32 v8, $0x8;
	v27 =	vshrl.u32 v7, $0x8  }
0x7d: {  	[tilespmem:s1+$0x0] =	vst v18;
	v35 =	vld [tilespmem:s23+$0x0];
	v30 =	vshrl.u32 v28, $0x10;
	v31 =	vshrl.u32 v28, $0x8;
	v33 =	vshrl.u32 v29, $0x10  }
0x7e: {  	s11 =	sadd.s32 s15, s7;
	v37 =	vld [tilespmem:s24+$0x0];
	v60 =	vshrl.u32 v29, $0x8;
	v43 =	vshrl.u32 v6, $0x8;
	v58 =	vand.u32 $0xFF, v12  }
0x7f: {  	v41 =	vld [tilespmem:s11+$0x0];
	v38 =	vshrl.u32 v28, $0x18;
	v4 =	vand.u32 $0xFF, v3;
	v3 =	vshrl.u32 v5, $0x18  }
0x80: {  	v42 =	vld [tilespmem:s10+$0x0];
	v9 =	vand.u32 $0xFF, v9;
	v14 =	vand.u32 $0xFF, v14;
	v17 =	vand.u32 $0xFF, v17  }
0x81: {  	s22 =	rddreg [dreg:$0xe];
	[tilespmem:s26+$0x0] =	vst v23;
	v18 =	vand.u32 $0xFF, v19;
	v19 =	vand.u32 $0xFF, v26;
	v26 =	vshrl.u32 v24, $0x8  }
0x82: {  	s23 =	rddreg [dreg:$0xd];
	[tilespmem:s22+$0x0] =	vst v15;
	v61 =	vshrl.u32 v32, $0x10;
	v62 =	vshrl.u32 v32, $0x8;
	v15 =	vshrl.u32 v34, $0x10  }
0x83: {  	s24 =	rddreg [dreg:$0xc];
	[tilespmem:s23+$0x0] =	vst v20;
	v63 =	vshrl.u32 v34, $0x8;
	v45 =	vand.u32 $0xFF, v21;
	v21 =	vshrl.u32 v35, $0x10  }
0x84: {  	[tilespmem:s24+$0x0] =	vst v25;
	v23 =	vshrl.u32 v35, $0x8;
	v20 =	vshrl.u32 v37, $0x8;
	v25 =	vshrl.u32 v41, $0x10  }
0x85: {  	v44 =	vshrl.u32 v41, $0x8;
	v49 =	vand.u32 $0xFF, v10;
	v48 =	vshrl.u32 v42, $0x10  }
0x86: {  	s18 =	rddreg [dreg:$0xf];
	v50 =	vshrl.u32 v42, $0x8;
	v52 =	vand.u32 $0xFF, v22;
	v53 =	vand.u32 $0xFF, v27  }
0x87: {  	[tilespmem:s18+$0x0] =	vst v16;
	v55 =	vand.u32 $0xFF, v30;
	v56 =	vand.u32 $0xFF, v31;
	v16 =	vand.u32 $0xFF, v33  }
0x88: {  	v57 =	vand.u32 $0xFF, v60;
	v10 =	vshrl.u32 v12, $0x18;
	v27 =	vand.u32 $0xFF, v24  }
0x89: {  	v31 =	vshrl.u32 v29, $0x18;
	v33 =	vand.u32 $0xFF, v29;
	v29 =	vand.u32 $0xFF, v32  }
0x8a: {  	v40 =	vshrl.u32 v34, $0x18;
	v36 =	vand.u32 $0xFF, v35;
	v39 =	vshrl.u32 v41, $0x18  }
0x8b: {  	v14 =	vpack.i.b32.b16 v18, v14;
	v17 =	vpack.i.b32.b16 v19, v17;
	v18 =	vshrl.u32 v12, $0x8  }
0x8c: {  	v19 =	vshrl.u32 v11, $0x10;
	v54 =	vand.u32 $0xFF, v26;
	v59 =	vand.u32 $0xFF, v15  }
0x8d: {  	v60 =	vand.u32 $0xFF, v63;
	v22 =	vand.u32 $0xFF, v21;
	v26 =	vand.u32 $0xFF, v23  }
0x8e: {  	v12 =	vshrl.u32 v11, $0x18;
	v20 =	vand.u32 $0xFF, v20;
	v23 =	vand.u32 $0xFF, v48  }
0x8f: {  	v30 =	vand.u32 $0xFF, v50;
	v15 =	vand.u32 $0xFF, v8;
	v21 =	vshrl.u32 v24, $0x18  }
0x90: {  	v63 =	vand.u32 $0xFF, v28;
	v28 =	vshrl.u32 v37, $0x18;
	v50 =	vpack.i.b32.b16 v45, v55  }
0x91: {  	v9 =	vpack.i.b32.b16 v53, v9;
	v14 =	vpack.i.b16.b8 v17, v14;
	v17 =	vshrl.u32 v8, $0x10  }
0x92: {  	s13 =	rddreg [dreg:$0x7];
	v46 =	vand.u32 $0xFF, v18;
	v18 =	vshrl.u32 v37, $0x10;
	v47 =	vand.u32 $0xFF, v19  }
0x93: {  	s29 =	sadd.s32 $0x40, s29;
	s17 =	rddreg [dreg:$0x9];
	v19 =	vand.u32 $0xFF, v62;
	v62 =	vand.u32 $0xFF, v44;
	v44 =	vand.u32 $0xFF, v41  }
0x94: {  	p2 =	slt.u32 s29, $0x1C0;
	s19 =	rddreg [dreg:$0xa];
	s16 =	sadd.s32 s5, s21;
	v41 =	vand.u32 $0xFF, v5;
	v5 =	vshrl.u32 v6, $0x18;
	v6 =	vand.u32 $0xFF, v6  }
0x95: {  	s6 =	sadd.s32 s0, s19;
	s7 =	sadd.s32 s0, s13;
	s12 =	sadd.s32 s0, s17;
	v49 =	vpack.i.b32.b16 v49, v60;
	[tilespmem:s16+$0x0] =	vst v14;
	v14 =	vshrl.u32 v24, $0x10;
	v51 =	vand.u32 $0xFF, v17  }
0x96: {  	s13 =	sadd.s32 s9, s6;
	s4 =	sadd.s32 s9, s7;
	s3 =	sadd.s32 s9, s21;
	v17 =	vand.u32 $0xFF, v11;
	v18 =	vand.u32 $0xFF, v18;
	v11 =	vshrl.u32 v8, $0x18  }
0x97: {  	s31 =	sadd.s32 s9, s12;
	s2 =	sadd.s32 s14, s7;
	s27 =	sadd.s32 s14, s21;
	v8 =	vshrl.u32 v7, $0x18;
	v7 =	vand.u32 $0xFF, v7;
	v24 =	vshrl.u32 v32, $0x18  }
.Ltmp3:
0x98: {  	[tilespmem:s28+$0x0] =	vst v13;
	s28 =	sadd.s32 s14, s6;
	s17 =	sadd.s32 s15, s6;
	v32 =	vshrl.u32 v35, $0x18;
	v35 =	vshrl.u32 v42, $0x18;
	v48 =	vpack.i.b32.b16 v46, v56;
	(pc) =	sbr.rel @p2 .LBB1_5-.Ltmp3, $4  }
0x99: {  	s0 =	sadd.s32 s15, s7;
	s14 =	sadd.s32 s14, s12;
	s1 =	sadd.s32 s15, s21;
	v47 =	vpack.i.b32.b16 v47, v59;
	v46 =	vpack.i.b32.b16 v52, v62;
	v13 =	vand.u32 $0xFF, v14  }
0x9a: {  	s19 =	sadd.s32 s15, s12;
	s21 =	sadd.s32 s5, s6;
	s6 =	sadd.s32 s5, s7;
	v14 =	vand.u32 $0xFF, v61;
	v61 =	vand.u32 $0xFF, v25;
	v25 =	vand.u32 $0xFF, v43  }
0x9b: {  	s7 =	rddreg [dreg:$0xb];
	s5 =	sadd.s32 s5, s12;
	s15 =	smov.u32 s17;
	v43 =	vand.u32 $0xFF, v34;
	v34 =	vand.u32 $0xFF, v37;
	v37 =	vand.u32 $0xFF, v42  }
0x9c: {  	s26 =	smov.u32 s19;
	s8 =	smov.u32 s21;
	s9 =	smov.u32 s5;
	v42 =	vpack.i.b32.b16 v58, v63;
	v45 =	vpack.i.b32.b16 v51, v61;
	v51 =	vpack.i.b32.b16 v57, v54  }
0x9d: {  	v13 =	vpack.i.b32.b16 v16, v13;
	v48 =	vpack.i.b16.b8 v48, v51  }
0x9e: {  	v19 =	vpack.i.b32.b16 v26, v19;
	v13 =	vpack.i.b16.b8 v50, v13;
	[tilespmem:s4+$0x0] =	vst v48  }
0x9f: {  	v4 =	vpack.i.b32.b16 v25, v4;
	v49 =	vpack.i.b16.b8 v49, v19;
	[tilespmem:s3+$0x0] =	vst v13  }
0xa0: {  	v14 =	vpack.i.b32.b16 v22, v14;
	v4 =	vpack.i.b16.b8 v9, v4;
	[tilespmem:s2+$0x0] =	vst v49  }
0xa1: {  	v50 =	vpack.i.b32.b16 v30, v20;
	v14 =	vpack.i.b16.b8 v47, v14;
	[tilespmem:s6+$0x0] =	vst v4  }
0xa2: {  	v7 =	vpack.i.b32.b16 v7, v41;
	v2 =	vpack.i.b32.b16 v6, v2;
	v13 =	vpack.i.b16.b8 v46, v50;
	[tilespmem:s27+$0x0] =	vst v14  }
0xa3: {  	v51 =	vpack.i.b32.b16 v23, v18;
	v2 =	vpack.i.b16.b8 v7, v2;
	[tilespmem:s0+$0x0] =	vst v13  }
0xa4: {  	v53 =	vpack.i.b32.b16 v33, v27;
	v52 =	vpack.i.b16.b8 v45, v51;
	[tilespmem:s8+$0x0] =	vst v2  }
0xa5: {  	v56 =	vpack.i.b32.b16 v17, v43;
	v57 =	vpack.i.b32.b16 v36, v29;
	v13 =	vpack.i.b16.b8 v42, v53;
	[tilespmem:s1+$0x0] =	vst v52  }
0xa6: {  	v3 =	vpack.i.b32.b16 v8, v3;
	v1 =	vpack.i.b32.b16 v5, v1;
	v4 =	vpack.i.b16.b8 v56, v57;
	[tilespmem:s13+$0x0] =	vst v13  }
0xa7: {  	v54 =	vpack.i.b32.b16 v10, v38;
	v55 =	vpack.i.b32.b16 v31, v21;
	v1 =	vpack.i.b16.b8 v3, v1;
	[tilespmem:s28+$0x0] =	vst v4  }
.Ltmp4:
0xa8: {  	v58 =	vpack.i.b32.b16 v12, v40;
	v59 =	vpack.i.b32.b16 v32, v24;
	v9 =	vpack.i.b16.b8 v54, v55;
	[tilespmem:s9+$0x0] =	vst v1;
	(pc) =	sbr.rel @p1 .LBB1_4-.Ltmp4, $4  }
0xa9: {  	v60 =	vpack.i.b32.b16 v15, v44;
	v61 =	vpack.i.b32.b16 v37, v34;
	v10 =	vpack.i.b16.b8 v58, v59;
	[tilespmem:s31+$0x0] =	vst v9  }
0xaa: {  	v62 =	vpack.i.b32.b16 v11, v39;
	v63 =	vpack.i.b32.b16 v35, v28;
	v9 =	vpack.i.b16.b8 v60, v61;
	[tilespmem:s14+$0x0] =	vst v10  }
0xab: {  	v4 =	vpack.i.b16.b8 v62, v63;
	[tilespmem:s15+$0x0] =	vst v9  }
0xac: {  	p2 =	por $0x0, $0x0;
	s0 =	simm.s32 $0x4;
	[tilespmem:s26+$0x0] =	vst v4  }
.Ltmp5:
0xad: {  	(pc) =	sbr.rel @p0 .LBB1_3-.Ltmp5, $2  }
0xae: {  	_ =	sdelay $0x2  }
0xaf: {  	s0 =	simm.s32 $0x4;
	p1 =	por $0x0, $0x0  }
0xb0: {  	s5 =	rddreg [dreg:$0x18]  }
0xb1: {  	s1 =	rddreg [dreg:$0x1b]  }
0xb2: {  	s26 =	rddreg [dreg:$0x1a]  }
0xb3: {  	s27 =	rddreg [dreg:$0x19]  }
0xb4: {  	s4 =	rddreg [dreg:$0x1]  }
0xb5: {  	s31 =	rddreg [dreg:$0x1c]  }
0xb6: {  	s6 =	rddreg [dreg:$0x12]  }
0xb7: {  	s7 =	rddreg [dreg:$0x13]  }
0xb8: {  	s8 =	rddreg [dreg:$0x14]  }
0xb9: {  	s30 =	simm.s32 $0x1000;
	s9 =	rddreg [dreg:$0x15]  }
0xba: {  	s10 =	rddreg [dreg:$0x16];
	s0 =	sshll.u32 s5, $0x3;
	s1 =	sshll.u32 s1, $0x7  }
0xbb: {  	s2 =	sshll.u32 s5, $0x2;
	s1 =	sand.u32 $0x200, s1;
	s0 =	sand.u32 $0x400, s0  }
0xbc: {  	s11 =	rddreg [dreg:$0x17];
	s2 =	sand.u32 $0x1E0, s2;
	s0 =	sor.u32 s1, s0  }
0xbd: {  	s3 =	sshrl.u32 s5, $0x2;
	s1 =	sshll.u32 s26, $0xC;
	s0 =	sor.u32 s2, s0  }
.Ltmp6:
0xbe: {  	s2 =	sshll.u32 s27, $0x9;
	s1 =	sadd.s32 s4, s1;
	(pc) =	sbr.rel .LBB1_9-.Ltmp6, $4  }
0xbf: {  	s28 =	sand.u32 $0x7, s5;
	s3 =	sand.u32 $0x1C0, s3;
	s1 =	sadd.s32 s2, s1  }
0xc0: {  	s0 =	sshrl.u32 s0, $0x5;
	s2 =	sshll.u32 s28, $0x12;
	s1 =	sadd.s32 s3, s1  }
0xc1: {  	s5 =	rddreg [dreg:$0x11];
	s29 =	sor.u32 $0x400, s2;
	s0 =	sadd.s32 s0, s1  }
0xc2: {  	[hbm4b:s0+s29] =	stream.strided.scatter [tilespmem:s31], [sflag:$0x2], $0x2000, s30, s29, $0x38;
	[tilespmem:$0x8000] =	vst v63  }
.LBB1_10:
0xc3: {  	_ =	sfence.sel $0x180000  }
0xc4: {  	s0 =	simm.s32 $0x1;
	[bflag:$0x0] =	sbarrier.arrive $0xFFFF  }
0xc5: {  	s30 =	simm.s32 $0x2;
	[sflag:s0] =	ssyncpa.u1 $0x1  }
0xc6: {  	[sflag:s30] =	ssyncpa.u1 $0x1  }
0xc7: {  	_ =	strace $0x90000047  }
0xc8: {  	s31 =	stileid.u32;
	[bflag:$0x2] =	sbarrier.arrive $0xFFFF  }
0xc9: {  	p0 =	sne.s32 s31, $0x0;
	s0 =	rddreg [dreg:$0x2]  }
0xca: {  	s0 =	sadd.s32 @!p0 $0x100000, s0  }
0xcb: {  	[sflag:s0] =	ssyncadd.tile.s32 @!p0 $0x1;
	_ =	shalt  }
.Lfunc_end1:
_tile_overlayer_lowered:
.L_overlay_start_2:
0xcc: {  	(tag) =	ssettag $0x2  }
0xcd: {  	s0 =	rddreg [dreg:$0x0];
	s2 =	stileid.u32  }
0xce: {  	s1 =	rddreg [dreg:$0x1];
	p0 =	sne.s32 s2, $0x0  }
0xcf: {  	s3 =	rddreg [dreg:$0x2];
	[bflag:$0x3] =	sbarrier.arrive $0xFFFF;
	s2 =	simm.s32 @!p0 $0x1C01  }
0xd0: {  	[timem:s3], [sflag:s2] =	dma.local @!p0 [hbm:s0], s1  }
0xd1: {  	s0 =	simm.s32 @!p0 $0x1  }
0xd2: {  	_ =	swait.ge @!p0 [sflag:s0], s1  }
0xd3: {  	s1 =	ssub.s32 @!p0 $0x0, s1;
	[sflag:s0] =	ssyncset.done @!p0 $0x0  }
0xd4: {  	[sflag:s0] =	ssyncadd.s32 @!p0 s1  }
0xd5: {  	[bflag:$0x3] =	sbarrier.arrive $0xFFFF  }
0xd6: {  	_ =	shalt  }

</sc_bundles>
